<compile_context>
chip_gen: v7x
topology: tpu7x:2x2x1
jax: 0.10.2.dev20260603
libtpu: 0.0.44.dev20260713+nightly
codegen_flags: <defaults>
</compile_context>

<pallas_src>
import functools

import jax
import jax.numpy as jnp
from jax import lax
from jax.experimental import pallas as pl
from jax.experimental.pallas import tpu as pltpu
from jax.experimental.pallas import tpu_sc as plsc

NUM_CORES = 2
NUM_SUBCORES = 16
NW = NUM_CORES * NUM_SUBCORES

HEAD = 4
D = 128
V = 200
B_TOTAL = 4096 * 200
B_PER_W = B_TOTAL // NW
CB = 128
NCHUNK = B_PER_W // CB
NBUF = 4
NOUTER = NCHUNK // NBUF


def _reduce_table_body(t_ref, out_ref):
    t = t_ref[...]
    acc = t[:, 0:D] + t[:, D:2 * D] + t[:, 2 * D:3 * D] + t[:, 3 * D:4 * D]
    out_ref[...] = acc * (1.0 / HEAD)


def _reduce_table(table):
    return pl.pallas_call(
        _reduce_table_body,
        out_shape=jax.ShapeDtypeStruct((V, D), jnp.float32),
    )(table)


def _gather_body(idx_hbm, rt_hbm, out_hbm, idx_v, rows_v, tab_sh, *sems):
    gsems = sems[:NBUF]
    wsems = sems[NBUF:]
    cid = lax.axis_index("c")
    sid = lax.axis_index("s")
    wid = sid * NUM_CORES + cid
    base = wid * B_PER_W

    @pl.when(sid == 0)
    def _():
        pltpu.sync_copy(rt_hbm, tab_sh)

    pltpu.sync_copy(idx_hbm.at[wid], idx_v)
    plsc.subcore_barrier()

    def start_gather(b, j):
        pltpu.async_copy(tab_sh.at[idx_v.at[j]], rows_v.at[b], gsems[b])

    def wait_gather(b, j):
        pltpu.make_async_copy(tab_sh.at[idx_v.at[j]], rows_v.at[b],
                              gsems[b]).wait()

    def start_write(b, j):
        pltpu.async_copy(rows_v.at[b], out_hbm.at[pl.ds(base + j * CB, CB)],
                         wsems[b])

    def wait_write(b, j):
        pltpu.make_async_copy(rows_v.at[b],
                              out_hbm.at[pl.ds(base + j * CB, CB)],
                              wsems[b]).wait()

    for b in range(NBUF):
        start_gather(b, b)

    def outer(g, carry):
        for b in range(NBUF):
            j = g * NBUF + b
            wait_gather(b, j)
            start_write(b, j)
            wait_write(b, j)
            start_gather(b, j + NBUF)
        return carry

    lax.fori_loop(0, NOUTER - 1, outer, 0, unroll=False)

    for b in range(NBUF):
        j = (NOUTER - 1) * NBUF + b
        wait_gather(b, j)
        start_write(b, j)
        wait_write(b, j)


_sc_gather = functools.partial(
    pl.kernel,
    out_type=jax.ShapeDtypeStruct((B_TOTAL, D), jnp.float32),
    mesh=plsc.VectorSubcoreMesh(core_axis_name="c", subcore_axis_name="s"),
    scratch_types=(
        [pltpu.VMEM((NCHUNK, CB), jnp.int32),
         pltpu.VMEM((NBUF, CB, D), jnp.float32),
         pltpu.MemorySpace.VMEM_SHARED((V, D), jnp.float32)]
        + [pltpu.SemaphoreType.DMA] * (2 * NBUF)
    ),
)(_gather_body)


def kernel(indices, table):
    idx = indices.astype(jnp.int32).reshape(NW, NCHUNK, CB)
    rt = _reduce_table(table)
    out = _sc_gather(idx, rt)
    return out.reshape(indices.shape[0], indices.shape[1], D)

# --- scband reference (transcript-rebuilt; emitter-appended) ---
"""Pipeline reference for scband-ceprompt-embedding-1494648619666 (READ-ONLY COPY).

The authoritative reference and input builder live on the scoring server;
editing this copy changes nothing except your own understanding.
"""

import jax, jax.numpy as jnp
import numpy as np

NUM_VIRTUAL_TOKENS = 100
NUM_SUBMODULES = 2
TOKEN_DIM = 128
PROMPT_HEAD = 4
TOTAL_VIRTUAL_TOKENS = NUM_VIRTUAL_TOKENS * NUM_SUBMODULES  # 200
TABLE_DIM = TOKEN_DIM * PROMPT_HEAD  # 512 (training mode, prompt_head != 1)
BATCH = 4096
SEQ = 200


def setup_inputs(seed: int = 0) -> dict:
    key = jax.random.key(seed)
    k1, k2 = jax.random.split(key)
    indices = jax.random.randint(k1, (BATCH, SEQ), 0, TOTAL_VIRTUAL_TOKENS, dtype=jnp.int64 if jax.config.jax_enable_x64 else jnp.int32)
    table = jax.random.normal(k2, (TOTAL_VIRTUAL_TOKENS, TABLE_DIM), dtype=jnp.float32) * 0.02
    return {"indices": indices, "table": table}


def reference(indices, table):
    # embedding lookup (gather)
    prompt_embeddings = jnp.take(table, indices, axis=0)  # [B, S, TOKEN_DIM*HEAD]
    # split_and_sum over prompt_head chunks of the last dim
    splits = jnp.split(prompt_embeddings, PROMPT_HEAD, axis=-1)
    result = splits[0]
    for s in splits[1:]:
        result = result + s
    result = result / PROMPT_HEAD
    return result  # [B, S, TOKEN_DIM]

if __name__ == "__main__":
    import jax
    _d = setup_inputs()
    print(jax.jit(kernel)(*tuple(_d.values())))

</pallas_src>

<mosaic_0001>
#map = affine_map<(d0, d1) -> (0, 0, 0)>
#map1 = affine_map<(d0, d1) -> (0, 0)>
module attributes {stable_mosaic.version = 14 : i64} {
  func.func @_gather_body(%arg0: i32, %arg1: i32, %arg2: memref<32x200x128xi32, #tpu.memory_space<hbm>>, %arg3: memref<200x128xf32, #tpu.memory_space<hbm>>, %arg4: memref<819200x128xf32, #tpu.memory_space<hbm>>, %arg5: memref<200x128xi32, #tpu.memory_space<vmem>>, %arg6: memref<4x128x128xf32, #tpu.memory_space<vmem>>, %arg7: memref<200x128xf32, #tpu.memory_space<vmem_shared>>, %arg8: memref<!tpu.dma_semaphore, #tpu.memory_space<semaphore_mem>>, %arg9: memref<!tpu.dma_semaphore, #tpu.memory_space<semaphore_mem>>, %arg10: memref<!tpu.dma_semaphore, #tpu.memory_space<semaphore_mem>>, %arg11: memref<!tpu.dma_semaphore, #tpu.memory_space<semaphore_mem>>, %arg12: memref<!tpu.dma_semaphore, #tpu.memory_space<semaphore_mem>>, %arg13: memref<!tpu.dma_semaphore, #tpu.memory_space<semaphore_mem>>, %arg14: memref<!tpu.dma_semaphore, #tpu.memory_space<semaphore_mem>>, %arg15: memref<!tpu.dma_semaphore, #tpu.memory_space<semaphore_mem>>) attributes {dimension_semantics = [#tpu.dimension_semantics<core_parallel>, #tpu.dimension_semantics<subcore_parallel>], iteration_bounds = array<i64: 2, 16>, scalar_prefetch = 0 : i64, scratch_operands = 11 : i64, tpu.core_type = #tpu.core_type<sc_vector_subcore>, window_params = [{transform_indices = #map}, {transform_indices = #map1}, {transform_indices = #map1}]} {
    %mul3A = arith.constant 2 : i32
    %mul3A_0 = arith.muli %arg1, %mul3A : i32
    %add3A = arith.addi %mul3A_0, %arg0 : i32
    %mul3A_1 = arith.constant 25600 : i32
    %mul3A_2 = arith.muli %add3A, %mul3A_1 : i32
    %eq3A = arith.constant 0 : i32
    %eq3A_3 = arith.cmpi eq, %arg1, %eq3A : i32
    %convert_element_type3A = arith.extui %eq3A_3 : i1 to i32
    %cond3A = arith.constant 0 : i32
    %cond3A_4 = arith.cmpi ne, %convert_element_type3A, %cond3A : i32
    scf.if %cond3A_4 {
      "tpu.region"() ({
        %run_scoped3A = tpu.sem_alloc : memref<!tpu.dma_semaphore, #tpu.memory_space<semaphore_mem>>
        tpu.enqueue_dma source(%arg3 : memref<200x128xf32, #tpu.memory_space<hbm>>) target(%arg7 : memref<200x128xf32, #tpu.memory_space<vmem_shared>>) target_semaphore(%run_scoped3A : memref<!tpu.dma_semaphore, #tpu.memory_space<semaphore_mem>>)
        tpu.wait_dma2 semaphore(%run_scoped3A : memref<!tpu.dma_semaphore, #tpu.memory_space<semaphore_mem>>) src(%arg3 : memref<200x128xf32, #tpu.memory_space<hbm>>) dst(%arg7 : memref<200x128xf32, #tpu.memory_space<vmem_shared>>)
        tpu.yield
      }) : () -> ()
    } else {
    }
    "tpu.region"() ({
      %run_scoped3A = tpu.sem_alloc : memref<!tpu.dma_semaphore, #tpu.memory_space<semaphore_mem>>
      %dma_start3A_224 = arith.constant 0 : i32
      %dma_start3A_225 = arith.constant 0 : i32
      %dma_start3A_226 = tpu.memref_slice %arg2[%add3A, %dma_start3A_224, %dma_start3A_225] : memref<32x200x128xi32, #tpu.memory_space<hbm>> -> memref<1x200x128xi32, #tpu.memory_space<hbm>>
      %dma_start3A_227 = tpu.memref_squeeze %dma_start3A_226 : memref<1x200x128xi32, #tpu.memory_space<hbm>> -> memref<200x128xi32, #tpu.memory_space<hbm>>
      %dma_start3A_228 = arith.constant 0 : i32
      %dma_start3A_229 = arith.constant 0 : i32
      %dma_start3A_230 = tpu.memref_slice %arg2[%add3A, %dma_start3A_228, %dma_start3A_229] : memref<32x200x128xi32, #tpu.memory_space<hbm>> -> memref<1x200x128xi32, #tpu.memory_space<hbm>>
      %dma_start3A_231 = tpu.memref_squeeze %dma_start3A_230 : memref<1x200x128xi32, #tpu.memory_space<hbm>> -> memref<200x128xi32, #tpu.memory_space<hbm>>
      tpu.enqueue_dma source(%dma_start3A_231 : memref<200x128xi32, #tpu.memory_space<hbm>>) target(%arg5 : memref<200x128xi32, #tpu.memory_space<vmem>>) target_semaphore(%run_scoped3A : memref<!tpu.dma_semaphore, #tpu.memory_space<semaphore_mem>>)
      %dma_wait3A_232 = arith.constant 0 : i32
      %dma_wait3A_233 = arith.constant 0 : i32
      %dma_wait3A_234 = tpu.memref_slice %arg2[%add3A, %dma_wait3A_232, %dma_wait3A_233] : memref<32x200x128xi32, #tpu.memory_space<hbm>> -> memref<1x200x128xi32, #tpu.memory_space<hbm>>
      %dma_wait3A_235 = tpu.memref_squeeze %dma_wait3A_234 : memref<1x200x128xi32, #tpu.memory_space<hbm>> -> memref<200x128xi32, #tpu.memory_space<hbm>>
      %dma_wait3A_236 = arith.constant 0 : i32
      %dma_wait3A_237 = arith.constant 0 : i32
      %dma_wait3A_238 = tpu.memref_slice %arg2[%add3A, %dma_wait3A_236, %dma_wait3A_237] : memref<32x200x128xi32, #tpu.memory_space<hbm>> -> memref<1x200x128xi32, #tpu.memory_space<hbm>>
      %dma_wait3A_239 = tpu.memref_squeeze %dma_wait3A_238 : memref<1x200x128xi32, #tpu.memory_space<hbm>> -> memref<200x128xi32, #tpu.memory_space<hbm>>
      tpu.wait_dma2 semaphore(%run_scoped3A : memref<!tpu.dma_semaphore, #tpu.memory_space<semaphore_mem>>) src(%dma_wait3A_239 : memref<200x128xi32, #tpu.memory_space<hbm>>) dst(%arg5 : memref<200x128xi32, #tpu.memory_space<vmem>>)
      tpu.yield
    }) : () -> ()
    %barrier3A = arith.constant 0 : index
    tpu.barrier barrier_id(%barrier3A)
    %dma_start3A = arith.constant 0 : i32
    %dma_start3A_5 = arith.constant 0 : i32
    %dma_start3A_6 = arith.constant 0 : i32
    %dma_start3A_7 = arith.constant 0 : i32
    %dma_start3A_8 = tpu.memref_slice %arg6[%dma_start3A_5, %dma_start3A_6, %dma_start3A_7] : memref<4x128x128xf32, #tpu.memory_space<vmem>> -> memref<1x128x128xf32, #tpu.memory_space<vmem>>
    %dma_start3A_9 = tpu.memref_squeeze %dma_start3A_8 : memref<1x128x128xf32, #tpu.memory_space<vmem>> -> memref<128x128xf32, #tpu.memory_space<vmem>>
    %dma_start3A_10 = arith.constant 0 : i32
    %dma_start3A_11 = tpu.memref_slice %arg5[%dma_start3A, %dma_start3A_10] : memref<200x128xi32, #tpu.memory_space<vmem>> -> memref<1x128xi32, #tpu.memory_space<vmem>>
    %dma_start3A_12 = tpu.memref_squeeze %dma_start3A_11 : memref<1x128xi32, #tpu.memory_space<vmem>> -> memref<128xi32, #tpu.memory_space<vmem>>
    %dma_start3A_13 = arith.constant 0 : i32
    %dma_start3A_14 = arith.constant 0 : i32
    %dma_start3A_15 = tpu.memref_slice %arg7[%dma_start3A_13, %dma_start3A_14] : memref<200x128xf32, #tpu.memory_space<vmem_shared>> -> memref<200x128xf32, #tpu.memory_space<vmem_shared>>
    tpu.enqueue_indirect_dma source(%dma_start3A_15 : memref<200x128xf32, #tpu.memory_space<vmem_shared>>) target(%dma_start3A_9 : memref<128x128xf32, #tpu.memory_space<vmem>>) offsets(%dma_start3A_12 : memref<128xi32, #tpu.memory_space<vmem>>) semaphore(%arg8 : memref<!tpu.dma_semaphore, #tpu.memory_space<semaphore_mem>>)
    %dma_start3A_16 = arith.constant 1 : i32
    %dma_start3A_17 = arith.constant 1 : i32
    %dma_start3A_18 = arith.constant 0 : i32
    %dma_start3A_19 = arith.constant 0 : i32
    %dma_start3A_20 = tpu.memref_slice %arg6[%dma_start3A_17, %dma_start3A_18, %dma_start3A_19] : memref<4x128x128xf32, #tpu.memory_space<vmem>> -> memref<1x128x128xf32, #tpu.memory_space<vmem>>
    %dma_start3A_21 = tpu.memref_squeeze %dma_start3A_20 : memref<1x128x128xf32, #tpu.memory_space<vmem>> -> memref<128x128xf32, #tpu.memory_space<vmem>>
    %dma_start3A_22 = arith.constant 0 : i32
    %dma_start3A_23 = tpu.memref_slice %arg5[%dma_start3A_16, %dma_start3A_22] : memref<200x128xi32, #tpu.memory_space<vmem>> -> memref<1x128xi32, #tpu.memory_space<vmem>>
    %dma_start3A_24 = tpu.memref_squeeze %dma_start3A_23 : memref<1x128xi32, #tpu.memory_space<vmem>> -> memref<128xi32, #tpu.memory_space<vmem>>
    %dma_start3A_25 = arith.constant 0 : i32
    %dma_start3A_26 = arith.constant 0 : i32
    %dma_start3A_27 = tpu.memref_slice %arg7[%dma_start3A_25, %dma_start3A_26] : memref<200x128xf32, #tpu.memory_space<vmem_shared>> -> memref<200x128xf32, #tpu.memory_space<vmem_shared>>
    tpu.enqueue_indirect_dma source(%dma_start3A_27 : memref<200x128xf32, #tpu.memory_space<vmem_shared>>) target(%dma_start3A_21 : memref<128x128xf32, #tpu.memory_space<vmem>>) offsets(%dma_start3A_24 : memref<128xi32, #tpu.memory_space<vmem>>) semaphore(%arg9 : memref<!tpu.dma_semaphore, #tpu.memory_space<semaphore_mem>>)
    %dma_start3A_28 = arith.constant 2 : i32
    %dma_start3A_29 = arith.constant 2 : i32
    %dma_start3A_30 = arith.constant 0 : i32
    %dma_start3A_31 = arith.constant 0 : i32
    %dma_start3A_32 = tpu.memref_slice %arg6[%dma_start3A_29, %dma_start3A_30, %dma_start3A_31] : memref<4x128x128xf32, #tpu.memory_space<vmem>> -> memref<1x128x128xf32, #tpu.memory_space<vmem>>
    %dma_start3A_33 = tpu.memref_squeeze %dma_start3A_32 : memref<1x128x128xf32, #tpu.memory_space<vmem>> -> memref<128x128xf32, #tpu.memory_space<vmem>>
    %dma_start3A_34 = arith.constant 0 : i32
    %dma_start3A_35 = tpu.memref_slice %arg5[%dma_start3A_28, %dma_start3A_34] : memref<200x128xi32, #tpu.memory_space<vmem>> -> memref<1x128xi32, #tpu.memory_space<vmem>>
    %dma_start3A_36 = tpu.memref_squeeze %dma_start3A_35 : memref<1x128xi32, #tpu.memory_space<vmem>> -> memref<128xi32, #tpu.memory_space<vmem>>
    %dma_start3A_37 = arith.constant 0 : i32
    %dma_start3A_38 = arith.constant 0 : i32
    %dma_start3A_39 = tpu.memref_slice %arg7[%dma_start3A_37, %dma_start3A_38] : memref<200x128xf32, #tpu.memory_space<vmem_shared>> -> memref<200x128xf32, #tpu.memory_space<vmem_shared>>
    tpu.enqueue_indirect_dma source(%dma_start3A_39 : memref<200x128xf32, #tpu.memory_space<vmem_shared>>) target(%dma_start3A_33 : memref<128x128xf32, #tpu.memory_space<vmem>>) offsets(%dma_start3A_36 : memref<128xi32, #tpu.memory_space<vmem>>) semaphore(%arg10 : memref<!tpu.dma_semaphore, #tpu.memory_space<semaphore_mem>>)
    %dma_start3A_40 = arith.constant 3 : i32
    %dma_start3A_41 = arith.constant 3 : i32
    %dma_start3A_42 = arith.constant 0 : i32
    %dma_start3A_43 = arith.constant 0 : i32
    %dma_start3A_44 = tpu.memref_slice %arg6[%dma_start3A_41, %dma_start3A_42, %dma_start3A_43] : memref<4x128x128xf32, #tpu.memory_space<vmem>> -> memref<1x128x128xf32, #tpu.memory_space<vmem>>
    %dma_start3A_45 = tpu.memref_squeeze %dma_start3A_44 : memref<1x128x128xf32, #tpu.memory_space<vmem>> -> memref<128x128xf32, #tpu.memory_space<vmem>>
    %dma_start3A_46 = arith.constant 0 : i32
    %dma_start3A_47 = tpu.memref_slice %arg5[%dma_start3A_40, %dma_start3A_46] : memref<200x128xi32, #tpu.memory_space<vmem>> -> memref<1x128xi32, #tpu.memory_space<vmem>>
    %dma_start3A_48 = tpu.memref_squeeze %dma_start3A_47 : memref<1x128xi32, #tpu.memory_space<vmem>> -> memref<128xi32, #tpu.memory_space<vmem>>
    %dma_start3A_49 = arith.constant 0 : i32
    %dma_start3A_50 = arith.constant 0 : i32
    %dma_start3A_51 = tpu.memref_slice %arg7[%dma_start3A_49, %dma_start3A_50] : memref<200x128xf32, #tpu.memory_space<vmem_shared>> -> memref<200x128xf32, #tpu.memory_space<vmem_shared>>
    tpu.enqueue_indirect_dma source(%dma_start3A_51 : memref<200x128xf32, #tpu.memory_space<vmem_shared>>) target(%dma_start3A_45 : memref<128x128xf32, #tpu.memory_space<vmem>>) offsets(%dma_start3A_48 : memref<128xi32, #tpu.memory_space<vmem>>) semaphore(%arg11 : memref<!tpu.dma_semaphore, #tpu.memory_space<semaphore_mem>>)
    %scan3A = arith.constant 0 : i32
    %scan3A_52 = arith.constant 0 : i32
    %scan3A_53 = arith.constant 49 : i32
    %scan3A_54 = arith.addi %scan3A_52, %scan3A_53 : i32
    %scan3A_55 = arith.constant 1 : i32
    scf.for %scan3A_224 = %scan3A_52 to %scan3A_54 step %scan3A_55  : i32 {
      %mul3A_225 = arith.constant 4 : i32
      %mul3A_226 = arith.muli %scan3A_224, %mul3A_225 : i32
      %add3A_227 = arith.constant 0 : i32
      %add3A_228 = arith.addi %mul3A_226, %add3A_227 : i32
      %dma_wait3A_229 = arith.constant 0 : i32
      %dma_wait3A_230 = arith.constant 0 : i32
      %dma_wait3A_231 = arith.constant 0 : i32
      %dma_wait3A_232 = tpu.memref_slice %arg6[%dma_wait3A_229, %dma_wait3A_230, %dma_wait3A_231] : memref<4x128x128xf32, #tpu.memory_space<vmem>> -> memref<1x128x128xf32, #tpu.memory_space<vmem>>
      %dma_wait3A_233 = tpu.memref_squeeze %dma_wait3A_232 : memref<1x128x128xf32, #tpu.memory_space<vmem>> -> memref<128x128xf32, #tpu.memory_space<vmem>>
      %dma_wait3A_234 = arith.constant 0 : i32
      %dma_wait3A_235 = tpu.memref_slice %arg5[%add3A_228, %dma_wait3A_234] : memref<200x128xi32, #tpu.memory_space<vmem>> -> memref<1x128xi32, #tpu.memory_space<vmem>>
      %dma_wait3A_236 = tpu.memref_squeeze %dma_wait3A_235 : memref<1x128xi32, #tpu.memory_space<vmem>> -> memref<128xi32, #tpu.memory_space<vmem>>
      %dma_wait3A_237 = arith.constant 0 : i32
      %dma_wait3A_238 = arith.constant 0 : i32
      %dma_wait3A_239 = tpu.memref_slice %arg7[%dma_wait3A_237, %dma_wait3A_238] : memref<200x128xf32, #tpu.memory_space<vmem_shared>> -> memref<200x128xf32, #tpu.memory_space<vmem_shared>>
      tpu.wait_indirect_dma semaphore(%arg8 : memref<!tpu.dma_semaphore, #tpu.memory_space<semaphore_mem>>) src(%dma_wait3A_239 : memref<200x128xf32, #tpu.memory_space<vmem_shared>>) dst(%dma_wait3A_233 : memref<128x128xf32, #tpu.memory_space<vmem>>)
      %mul3A_240 = arith.constant 128 : i32
      %mul3A_241 = arith.muli %add3A_228, %mul3A_240 : i32
      %add3A_242 = arith.addi %mul3A_2, %mul3A_241 : i32
      %dma_start3A_243 = arith.constant 0 : i32
      %dma_start3A_244 = arith.constant 0 : i32
      %dma_start3A_245 = arith.constant 0 : i32
      %dma_start3A_246 = tpu.memref_slice %arg6[%dma_start3A_243, %dma_start3A_244, %dma_start3A_245] : memref<4x128x128xf32, #tpu.memory_space<vmem>> -> memref<1x128x128xf32, #tpu.memory_space<vmem>>
      %dma_start3A_247 = tpu.memref_squeeze %dma_start3A_246 : memref<1x128x128xf32, #tpu.memory_space<vmem>> -> memref<128x128xf32, #tpu.memory_space<vmem>>
      %dma_start3A_248 = arith.constant 0 : i32
      %dma_start3A_249 = tpu.memref_slice %arg4[%add3A_242, %dma_start3A_248] : memref<819200x128xf32, #tpu.memory_space<hbm>> -> memref<128x128xf32, #tpu.memory_space<hbm>>
      %dma_start3A_250 = arith.constant 0 : i32
      %dma_start3A_251 = tpu.memref_slice %arg4[%add3A_242, %dma_start3A_250] : memref<819200x128xf32, #tpu.memory_space<hbm>> -> memref<128x128xf32, #tpu.memory_space<hbm>>
      %dma_start3A_252 = arith.constant 0 : i32
      %dma_start3A_253 = arith.constant 0 : i32
      %dma_start3A_254 = tpu.memref_slice %arg6[%dma_start3A_243, %dma_start3A_252, %dma_start3A_253] : memref<4x128x128xf32, #tpu.memory_space<vmem>> -> memref<1x128x128xf32, #tpu.memory_space<vmem>>
      %dma_start3A_255 = tpu.memref_squeeze %dma_start3A_254 : memref<1x128x128xf32, #tpu.memory_space<vmem>> -> memref<128x128xf32, #tpu.memory_space<vmem>>
      tpu.enqueue_dma source(%dma_start3A_255 : memref<128x128xf32, #tpu.memory_space<vmem>>) target(%dma_start3A_251 : memref<128x128xf32, #tpu.memory_space<hbm>>) target_semaphore(%arg12 : memref<!tpu.dma_semaphore, #tpu.memory_space<semaphore_mem>>)
      %mul3A_256 = arith.constant 128 : i32
      %mul3A_257 = arith.muli %add3A_228, %mul3A_256 : i32
      %add3A_258 = arith.addi %mul3A_2, %mul3A_257 : i32
      %dma_wait3A_259 = arith.constant 0 : i32
      %dma_wait3A_260 = arith.constant 0 : i32
      %dma_wait3A_261 = arith.constant 0 : i32
      %dma_wait3A_262 = tpu.memref_slice %arg6[%dma_wait3A_259, %dma_wait3A_260, %dma_wait3A_261] : memref<4x128x128xf32, #tpu.memory_space<vmem>> -> memref<1x128x128xf32, #tpu.memory_space<vmem>>
      %dma_wait3A_263 = tpu.memref_squeeze %dma_wait3A_262 : memref<1x128x128xf32, #tpu.memory_space<vmem>> -> memref<128x128xf32, #tpu.memory_space<vmem>>
      %dma_wait3A_264 = arith.constant 0 : i32
      %dma_wait3A_265 = tpu.memref_slice %arg4[%add3A_258, %dma_wait3A_264] : memref<819200x128xf32, #tpu.memory_space<hbm>> -> memref<128x128xf32, #tpu.memory_space<hbm>>
      %dma_wait3A_266 = arith.constant 0 : i32
      %dma_wait3A_267 = tpu.memref_slice %arg4[%add3A_258, %dma_wait3A_266] : memref<819200x128xf32, #tpu.memory_space<hbm>> -> memref<128x128xf32, #tpu.memory_space<hbm>>
      %dma_wait3A_268 = arith.constant 0 : i32
      %dma_wait3A_269 = arith.constant 0 : i32
      %dma_wait3A_270 = tpu.memref_slice %arg6[%dma_wait3A_259, %dma_wait3A_268, %dma_wait3A_269] : memref<4x128x128xf32, #tpu.memory_space<vmem>> -> memref<1x128x128xf32, #tpu.memory_space<vmem>>
      %dma_wait3A_271 = tpu.memref_squeeze %dma_wait3A_270 : memref<1x128x128xf32, #tpu.memory_space<vmem>> -> memref<128x128xf32, #tpu.memory_space<vmem>>
      tpu.wait_dma2 semaphore(%arg12 : memref<!tpu.dma_semaphore, #tpu.memory_space<semaphore_mem>>) src(%dma_wait3A_271 : memref<128x128xf32, #tpu.memory_space<vmem>>) dst(%dma_wait3A_267 : memref<128x128xf32, #tpu.memory_space<hbm>>)
      %add3A_272 = arith.constant 4 : i32
      %add3A_273 = arith.addi %add3A_228, %add3A_272 : i32
      %dma_start3A_274 = arith.constant 0 : i32
      %dma_start3A_275 = arith.constant 0 : i32
      %dma_start3A_276 = arith.constant 0 : i32
      %dma_start3A_277 = tpu.memref_slice %arg6[%dma_start3A_274, %dma_start3A_275, %dma_start3A_276] : memref<4x128x128xf32, #tpu.memory_space<vmem>> -> memref<1x128x128xf32, #tpu.memory_space<vmem>>
      %dma_start3A_278 = tpu.memref_squeeze %dma_start3A_277 : memref<1x128x128xf32, #tpu.memory_space<vmem>> -> memref<128x128xf32, #tpu.memory_space<vmem>>
      %dma_start3A_279 = arith.constant 0 : i32
      %dma_start3A_280 = tpu.memref_slice %arg5[%add3A_273, %dma_start3A_279] : memref<200x128xi32, #tpu.memory_space<vmem>> -> memref<1x128xi32, #tpu.memory_space<vmem>>
      %dma_start3A_281 = tpu.memref_squeeze %dma_start3A_280 : memref<1x128xi32, #tpu.memory_space<vmem>> -> memref<128xi32, #tpu.memory_space<vmem>>
      %dma_start3A_282 = arith.constant 0 : i32
      %dma_start3A_283 = arith.constant 0 : i32
      %dma_start3A_284 = tpu.memref_slice %arg7[%dma_start3A_282, %dma_start3A_283] : memref<200x128xf32, #tpu.memory_space<vmem_shared>> -> memref<200x128xf32, #tpu.memory_space<vmem_shared>>
      tpu.enqueue_indirect_dma source(%dma_start3A_284 : memref<200x128xf32, #tpu.memory_space<vmem_shared>>) target(%dma_start3A_278 : memref<128x128xf32, #tpu.memory_space<vmem>>) offsets(%dma_start3A_281 : memref<128xi32, #tpu.memory_space<vmem>>) semaphore(%arg8 : memref<!tpu.dma_semaphore, #tpu.memory_space<semaphore_mem>>)
      %mul3A_285 = arith.constant 4 : i32
      %mul3A_286 = arith.muli %scan3A_224, %mul3A_285 : i32
      %add3A_287 = arith.constant 1 : i32
      %add3A_288 = arith.addi %mul3A_286, %add3A_287 : i32
      %dma_wait3A_289 = arith.constant 1 : i32
      %dma_wait3A_290 = arith.constant 0 : i32
      %dma_wait3A_291 = arith.constant 0 : i32
      %dma_wait3A_292 = tpu.memref_slice %arg6[%dma_wait3A_289, %dma_wait3A_290, %dma_wait3A_291] : memref<4x128x128xf32, #tpu.memory_space<vmem>> -> memref<1x128x128xf32, #tpu.memory_space<vmem>>
      %dma_wait3A_293 = tpu.memref_squeeze %dma_wait3A_292 : memref<1x128x128xf32, #tpu.memory_space<vmem>> -> memref<128x128xf32, #tpu.memory_space<vmem>>
      %dma_wait3A_294 = arith.constant 0 : i32
      %dma_wait3A_295 = tpu.memref_slice %arg5[%add3A_288, %dma_wait3A_294] : memref<200x128xi32, #tpu.memory_space<vmem>> -> memref<1x128xi32, #tpu.memory_space<vmem>>
      %dma_wait3A_296 = tpu.memref_squeeze %dma_wait3A_295 : memref<1x128xi32, #tpu.memory_space<vmem>> -> memref<128xi32, #tpu.memory_space<vmem>>
      %dma_wait3A_297 = arith.constant 0 : i32
      %dma_wait3A_298 = arith.constant 0 : i32
      %dma_wait3A_299 = tpu.memref_slice %arg7[%dma_wait3A_297, %dma_wait3A_298] : memref<200x128xf32, #tpu.memory_space<vmem_shared>> -> memref<200x128xf32, #tpu.memory_space<vmem_shared>>
      tpu.wait_indirect_dma semaphore(%arg9 : memref<!tpu.dma_semaphore, #tpu.memory_space<semaphore_mem>>) src(%dma_wait3A_299 : memref<200x128xf32, #tpu.memory_space<vmem_shared>>) dst(%dma_wait3A_293 : memref<128x128xf32, #tpu.memory_space<vmem>>)
      %mul3A_300 = arith.constant 128 : i32
      %mul3A_301 = arith.muli %add3A_288, %mul3A_300 : i32
      %add3A_302 = arith.addi %mul3A_2, %mul3A_301 : i32
      %dma_start3A_303 = arith.constant 1 : i32
      %dma_start3A_304 = arith.constant 0 : i32
      %dma_start3A_305 = arith.constant 0 : i32
      %dma_start3A_306 = tpu.memref_slice %arg6[%dma_start3A_303, %dma_start3A_304, %dma_start3A_305] : memref<4x128x128xf32, #tpu.memory_space<vmem>> -> memref<1x128x128xf32, #tpu.memory_space<vmem>>
      %dma_start3A_307 = tpu.memref_squeeze %dma_start3A_306 : memref<1x128x128xf32, #tpu.memory_space<vmem>> -> memref<128x128xf32, #tpu.memory_space<vmem>>
      %dma_start3A_308 = arith.constant 0 : i32
      %dma_start3A_309 = tpu.memref_slice %arg4[%add3A_302, %dma_start3A_308] : memref<819200x128xf32, #tpu.memory_space<hbm>> -> memref<128x128xf32, #tpu.memory_space<hbm>>
      %dma_start3A_310 = arith.constant 0 : i32
      %dma_start3A_311 = tpu.memref_slice %arg4[%add3A_302, %dma_start3A_310] : memref<819200x128xf32, #tpu.memory_space<hbm>> -> memref<128x128xf32, #tpu.memory_space<hbm>>
      %dma_start3A_312 = arith.constant 0 : i32
      %dma_start3A_313 = arith.constant 0 : i32
      %dma_start3A_314 = tpu.memref_slice %arg6[%dma_start3A_303, %dma_start3A_312, %dma_start3A_313] : memref<4x128x128xf32, #tpu.memory_space<vmem>> -> memref<1x128x128xf32, #tpu.memory_space<vmem>>
      %dma_start3A_315 = tpu.memref_squeeze %dma_start3A_314 : memref<1x128x128xf32, #tpu.memory_space<vmem>> -> memref<128x128xf32, #tpu.memory_space<vmem>>
      tpu.enqueue_dma source(%dma_start3A_315 : memref<128x128xf32, #tpu.memory_space<vmem>>) target(%dma_start3A_311 : memref<128x128xf32, #tpu.memory_space<hbm>>) target_semaphore(%arg13 : memref<!tpu.dma_semaphore, #tpu.memory_space<semaphore_mem>>)
      %mul3A_316 = arith.constant 128 : i32
      %mul3A_317 = arith.muli %add3A_288, %mul3A_316 : i32
      %add3A_318 = arith.addi %mul3A_2, %mul3A_317 : i32
      %dma_wait3A_319 = arith.constant 1 : i32
      %dma_wait3A_320 = arith.constant 0 : i32
      %dma_wait3A_321 = arith.constant 0 : i32
      %dma_wait3A_322 = tpu.memref_slice %arg6[%dma_wait3A_319, %dma_wait3A_320, %dma_wait3A_321] : memref<4x128x128xf32, #tpu.memory_space<vmem>> -> memref<1x128x128xf32, #tpu.memory_space<vmem>>
      %dma_wait3A_323 = tpu.memref_squeeze %dma_wait3A_322 : memref<1x128x128xf32, #tpu.memory_space<vmem>> -> memref<128x128xf32, #tpu.memory_space<vmem>>
      %dma_wait3A_324 = arith.constant 0 : i32
      %dma_wait3A_325 = tpu.memref_slice %arg4[%add3A_318, %dma_wait3A_324] : memref<819200x128xf32, #tpu.memory_space<hbm>> -> memref<128x128xf32, #tpu.memory_space<hbm>>
      %dma_wait3A_326 = arith.constant 0 : i32
      %dma_wait3A_327 = tpu.memref_slice %arg4[%add3A_318, %dma_wait3A_326] : memref<819200x128xf32, #tpu.memory_space<hbm>> -> memref<128x128xf32, #tpu.memory_space<hbm>>
      %dma_wait3A_328 = arith.constant 0 : i32
      %dma_wait3A_329 = arith.constant 0 : i32
      %dma_wait3A_330 = tpu.memref_slice %arg6[%dma_wait3A_319, %dma_wait3A_328, %dma_wait3A_329] : memref<4x128x128xf32, #tpu.memory_space<vmem>> -> memref<1x128x128xf32, #tpu.memory_space<vmem>>
      %dma_wait3A_331 = tpu.memref_squeeze %dma_wait3A_330 : memref<1x128x128xf32, #tpu.memory_space<vmem>> -> memref<128x128xf32, #tpu.memory_space<vmem>>
      tpu.wait_dma2 semaphore(%arg13 : memref<!tpu.dma_semaphore, #tpu.memory_space<semaphore_mem>>) src(%dma_wait3A_331 : memref<128x128xf32, #tpu.memory_space<vmem>>) dst(%dma_wait3A_327 : memref<128x128xf32, #tpu.memory_space<hbm>>)
      %add3A_332 = arith.constant 4 : i32
      %add3A_333 = arith.addi %add3A_288, %add3A_332 : i32
      %dma_start3A_334 = arith.constant 1 : i32
      %dma_start3A_335 = arith.constant 0 : i32
      %dma_start3A_336 = arith.constant 0 : i32
      %dma_start3A_337 = tpu.memref_slice %arg6[%dma_start3A_334, %dma_start3A_335, %dma_start3A_336] : memref<4x128x128xf32, #tpu.memory_space<vmem>> -> memref<1x128x128xf32, #tpu.memory_space<vmem>>
      %dma_start3A_338 = tpu.memref_squeeze %dma_start3A_337 : memref<1x128x128xf32, #tpu.memory_space<vmem>> -> memref<128x128xf32, #tpu.memory_space<vmem>>
      %dma_start3A_339 = arith.constant 0 : i32
      %dma_start3A_340 = tpu.memref_slice %arg5[%add3A_333, %dma_start3A_339] : memref<200x128xi32, #tpu.memory_space<vmem>> -> memref<1x128xi32, #tpu.memory_space<vmem>>
      %dma_start3A_341 = tpu.memref_squeeze %dma_start3A_340 : memref<1x128xi32, #tpu.memory_space<vmem>> -> memref<128xi32, #tpu.memory_space<vmem>>
      %dma_start3A_342 = arith.constant 0 : i32
      %dma_start3A_343 = arith.constant 0 : i32
      %dma_start3A_344 = tpu.memref_slice %arg7[%dma_start3A_342, %dma_start3A_343] : memref<200x128xf32, #tpu.memory_space<vmem_shared>> -> memref<200x128xf32, #tpu.memory_space<vmem_shared>>
      tpu.enqueue_indirect_dma source(%dma_start3A_344 : memref<200x128xf32, #tpu.memory_space<vmem_shared>>) target(%dma_start3A_338 : memref<128x128xf32, #tpu.memory_space<vmem>>) offsets(%dma_start3A_341 : memref<128xi32, #tpu.memory_space<vmem>>) semaphore(%arg9 : memref<!tpu.dma_semaphore, #tpu.memory_space<semaphore_mem>>)
      %mul3A_345 = arith.constant 4 : i32
      %mul3A_346 = arith.muli %scan3A_224, %mul3A_345 : i32
      %add3A_347 = arith.constant 2 : i32
      %add3A_348 = arith.addi %mul3A_346, %add3A_347 : i32
      %dma_wait3A_349 = arith.constant 2 : i32
      %dma_wait3A_350 = arith.constant 0 : i32
      %dma_wait3A_351 = arith.constant 0 : i32
      %dma_wait3A_352 = tpu.memref_slice %arg6[%dma_wait3A_349, %dma_wait3A_350, %dma_wait3A_351] : memref<4x128x128xf32, #tpu.memory_space<vmem>> -> memref<1x128x128xf32, #tpu.memory_space<vmem>>
      %dma_wait3A_353 = tpu.memref_squeeze %dma_wait3A_352 : memref<1x128x128xf32, #tpu.memory_space<vmem>> -> memref<128x128xf32, #tpu.memory_space<vmem>>
      %dma_wait3A_354 = arith.constant 0 : i32
      %dma_wait3A_355 = tpu.memref_slice %arg5[%add3A_348, %dma_wait3A_354] : memref<200x128xi32, #tpu.memory_space<vmem>> -> memref<1x128xi32, #tpu.memory_space<vmem>>
      %dma_wait3A_356 = tpu.memref_squeeze %dma_wait3A_355 : memref<1x128xi32, #tpu.memory_space<vmem>> -> memref<128xi32, #tpu.memory_space<vmem>>
      %dma_wait3A_357 = arith.constant 0 : i32
      %dma_wait3A_358 = arith.constant 0 : i32
      %dma_wait3A_359 = tpu.memref_slice %arg7[%dma_wait3A_357, %dma_wait3A_358] : memref<200x128xf32, #tpu.memory_space<vmem_shared>> -> memref<200x128xf32, #tpu.memory_space<vmem_shared>>
      tpu.wait_indirect_dma semaphore(%arg10 : memref<!tpu.dma_semaphore, #tpu.memory_space<semaphore_mem>>) src(%dma_wait3A_359 : memref<200x128xf32, #tpu.memory_space<vmem_shared>>) dst(%dma_wait3A_353 : memref<128x128xf32, #tpu.memory_space<vmem>>)
      %mul3A_360 = arith.constant 128 : i32
      %mul3A_361 = arith.muli %add3A_348, %mul3A_360 : i32
      %add3A_362 = arith.addi %mul3A_2, %mul3A_361 : i32
      %dma_start3A_363 = arith.constant 2 : i32
      %dma_start3A_364 = arith.constant 0 : i32
      %dma_start3A_365 = arith.constant 0 : i32
      %dma_start3A_366 = tpu.memref_slice %arg6[%dma_start3A_363, %dma_start3A_364, %dma_start3A_365] : memref<4x128x128xf32, #tpu.memory_space<vmem>> -> memref<1x128x128xf32, #tpu.memory_space<vmem>>
      %dma_start3A_367 = tpu.memref_squeeze %dma_start3A_366 : memref<1x128x128xf32, #tpu.memory_space<vmem>> -> memref<128x128xf32, #tpu.memory_space<vmem>>
      %dma_start3A_368 = arith.constant 0 : i32
      %dma_start3A_369 = tpu.memref_slice %arg4[%add3A_362, %dma_start3A_368] : memref<819200x128xf32, #tpu.memory_space<hbm>> -> memref<128x128xf32, #tpu.memory_space<hbm>>
      %dma_start3A_370 = arith.constant 0 : i32
      %dma_start3A_371 = tpu.memref_slice %arg4[%add3A_362, %dma_start3A_370] : memref<819200x128xf32, #tpu.memory_space<hbm>> -> memref<128x128xf32, #tpu.memory_space<hbm>>
      %dma_start3A_372 = arith.constant 0 : i32
      %dma_start3A_373 = arith.constant 0 : i32
      %dma_start3A_374 = tpu.memref_slice %arg6[%dma_start3A_363, %dma_start3A_372, %dma_start3A_373] : memref<4x128x128xf32, #tpu.memory_space<vmem>> -> memref<1x128x128xf32, #tpu.memory_space<vmem>>
      %dma_start3A_375 = tpu.memref_squeeze %dma_start3A_374 : memref<1x128x128xf32, #tpu.memory_space<vmem>> -> memref<128x128xf32, #tpu.memory_space<vmem>>
      tpu.enqueue_dma source(%dma_start3A_375 : memref<128x128xf32, #tpu.memory_space<vmem>>) target(%dma_start3A_371 : memref<128x128xf32, #tpu.memory_space<hbm>>) target_semaphore(%arg14 : memref<!tpu.dma_semaphore, #tpu.memory_space<semaphore_mem>>)
      %mul3A_376 = arith.constant 128 : i32
      %mul3A_377 = arith.muli %add3A_348, %mul3A_376 : i32
      %add3A_378 = arith.addi %mul3A_2, %mul3A_377 : i32
      %dma_wait3A_379 = arith.constant 2 : i32
      %dma_wait3A_380 = arith.constant 0 : i32
      %dma_wait3A_381 = arith.constant 0 : i32
      %dma_wait3A_382 = tpu.memref_slice %arg6[%dma_wait3A_379, %dma_wait3A_380, %dma_wait3A_381] : memref<4x128x128xf32, #tpu.memory_space<vmem>> -> memref<1x128x128xf32, #tpu.memory_space<vmem>>
      %dma_wait3A_383 = tpu.memref_squeeze %dma_wait3A_382 : memref<1x128x128xf32, #tpu.memory_space<vmem>> -> memref<128x128xf32, #tpu.memory_space<vmem>>
      %dma_wait3A_384 = arith.constant 0 : i32
      %dma_wait3A_385 = tpu.memref_slice %arg4[%add3A_378, %dma_wait3A_384] : memref<819200x128xf32, #tpu.memory_space<hbm>> -> memref<128x128xf32, #tpu.memory_space<hbm>>
      %dma_wait3A_386 = arith.constant 0 : i32
      %dma_wait3A_387 = tpu.memref_slice %arg4[%add3A_378, %dma_wait3A_386] : memref<819200x128xf32, #tpu.memory_space<hbm>> -> memref<128x128xf32, #tpu.memory_space<hbm>>
      %dma_wait3A_388 = arith.constant 0 : i32
      %dma_wait3A_389 = arith.constant 0 : i32
      %dma_wait3A_390 = tpu.memref_slice %arg6[%dma_wait3A_379, %dma_wait3A_388, %dma_wait3A_389] : memref<4x128x128xf32, #tpu.memory_space<vmem>> -> memref<1x128x128xf32, #tpu.memory_space<vmem>>
      %dma_wait3A_391 = tpu.memref_squeeze %dma_wait3A_390 : memref<1x128x128xf32, #tpu.memory_space<vmem>> -> memref<128x128xf32, #tpu.memory_space<vmem>>
      tpu.wait_dma2 semaphore(%arg14 : memref<!tpu.dma_semaphore, #tpu.memory_space<semaphore_mem>>) src(%dma_wait3A_391 : memref<128x128xf32, #tpu.memory_space<vmem>>) dst(%dma_wait3A_387 : memref<128x128xf32, #tpu.memory_space<hbm>>)
      %add3A_392 = arith.constant 4 : i32
      %add3A_393 = arith.addi %add3A_348, %add3A_392 : i32
      %dma_start3A_394 = arith.constant 2 : i32
      %dma_start3A_395 = arith.constant 0 : i32
      %dma_start3A_396 = arith.constant 0 : i32
      %dma_start3A_397 = tpu.memref_slice %arg6[%dma_start3A_394, %dma_start3A_395, %dma_start3A_396] : memref<4x128x128xf32, #tpu.memory_space<vmem>> -> memref<1x128x128xf32, #tpu.memory_space<vmem>>
      %dma_start3A_398 = tpu.memref_squeeze %dma_start3A_397 : memref<1x128x128xf32, #tpu.memory_space<vmem>> -> memref<128x128xf32, #tpu.memory_space<vmem>>
      %dma_start3A_399 = arith.constant 0 : i32
      %dma_start3A_400 = tpu.memref_slice %arg5[%add3A_393, %dma_start3A_399] : memref<200x128xi32, #tpu.memory_space<vmem>> -> memref<1x128xi32, #tpu.memory_space<vmem>>
      %dma_start3A_401 = tpu.memref_squeeze %dma_start3A_400 : memref<1x128xi32, #tpu.memory_space<vmem>> -> memref<128xi32, #tpu.memory_space<vmem>>
      %dma_start3A_402 = arith.constant 0 : i32
      %dma_start3A_403 = arith.constant 0 : i32
      %dma_start3A_404 = tpu.memref_slice %arg7[%dma_start3A_402, %dma_start3A_403] : memref<200x128xf32, #tpu.memory_space<vmem_shared>> -> memref<200x128xf32, #tpu.memory_space<vmem_shared>>
      tpu.enqueue_indirect_dma source(%dma_start3A_404 : memref<200x128xf32, #tpu.memory_space<vmem_shared>>) target(%dma_start3A_398 : memref<128x128xf32, #tpu.memory_space<vmem>>) offsets(%dma_start3A_401 : memref<128xi32, #tpu.memory_space<vmem>>) semaphore(%arg10 : memref<!tpu.dma_semaphore, #tpu.memory_space<semaphore_mem>>)
      %mul3A_405 = arith.constant 4 : i32
      %mul3A_406 = arith.muli %scan3A_224, %mul3A_405 : i32
      %add3A_407 = arith.constant 3 : i32
      %add3A_408 = arith.addi %mul3A_406, %add3A_407 : i32
      %dma_wait3A_409 = arith.constant 3 : i32
      %dma_wait3A_410 = arith.constant 0 : i32
      %dma_wait3A_411 = arith.constant 0 : i32
      %dma_wait3A_412 = tpu.memref_slice %arg6[%dma_wait3A_409, %dma_wait3A_410, %dma_wait3A_411] : memref<4x128x128xf32, #tpu.memory_space<vmem>> -> memref<1x128x128xf32, #tpu.memory_space<vmem>>
      %dma_wait3A_413 = tpu.memref_squeeze %dma_wait3A_412 : memref<1x128x128xf32, #tpu.memory_space<vmem>> -> memref<128x128xf32, #tpu.memory_space<vmem>>
      %dma_wait3A_414 = arith.constant 0 : i32
      %dma_wait3A_415 = tpu.memref_slice %arg5[%add3A_408, %dma_wait3A_414] : memref<200x128xi32, #tpu.memory_space<vmem>> -> memref<1x128xi32, #tpu.memory_space<vmem>>
      %dma_wait3A_416 = tpu.memref_squeeze %dma_wait3A_415 : memref<1x128xi32, #tpu.memory_space<vmem>> -> memref<128xi32, #tpu.memory_space<vmem>>
      %dma_wait3A_417 = arith.constant 0 : i32
      %dma_wait3A_418 = arith.constant 0 : i32
      %dma_wait3A_419 = tpu.memref_slice %arg7[%dma_wait3A_417, %dma_wait3A_418] : memref<200x128xf32, #tpu.memory_space<vmem_shared>> -> memref<200x128xf32, #tpu.memory_space<vmem_shared>>
      tpu.wait_indirect_dma semaphore(%arg11 : memref<!tpu.dma_semaphore, #tpu.memory_space<semaphore_mem>>) src(%dma_wait3A_419 : memref<200x128xf32, #tpu.memory_space<vmem_shared>>) dst(%dma_wait3A_413 : memref<128x128xf32, #tpu.memory_space<vmem>>)
      %mul3A_420 = arith.constant 128 : i32
      %mul3A_421 = arith.muli %add3A_408, %mul3A_420 : i32
      %add3A_422 = arith.addi %mul3A_2, %mul3A_421 : i32
      %dma_start3A_423 = arith.constant 3 : i32
      %dma_start3A_424 = arith.constant 0 : i32
      %dma_start3A_425 = arith.constant 0 : i32
      %dma_start3A_426 = tpu.memref_slice %arg6[%dma_start3A_423, %dma_start3A_424, %dma_start3A_425] : memref<4x128x128xf32, #tpu.memory_space<vmem>> -> memref<1x128x128xf32, #tpu.memory_space<vmem>>
      %dma_start3A_427 = tpu.memref_squeeze %dma_start3A_426 : memref<1x128x128xf32, #tpu.memory_space<vmem>> -> memref<128x128xf32, #tpu.memory_space<vmem>>
      %dma_start3A_428 = arith.constant 0 : i32
      %dma_start3A_429 = tpu.memref_slice %arg4[%add3A_422, %dma_start3A_428] : memref<819200x128xf32, #tpu.memory_space<hbm>> -> memref<128x128xf32, #tpu.memory_space<hbm>>
      %dma_start3A_430 = arith.constant 0 : i32
      %dma_start3A_431 = tpu.memref_slice %arg4[%add3A_422, %dma_start3A_430] : memref<819200x128xf32, #tpu.memory_space<hbm>> -> memref<128x128xf32, #tpu.memory_space<hbm>>
      %dma_start3A_432 = arith.constant 0 : i32
      %dma_start3A_433 = arith.constant 0 : i32
      %dma_start3A_434 = tpu.memref_slice %arg6[%dma_start3A_423, %dma_start3A_432, %dma_start3A_433] : memref<4x128x128xf32, #tpu.memory_space<vmem>> -> memref<1x128x128xf32, #tpu.memory_space<vmem>>
      %dma_start3A_435 = tpu.memref_squeeze %dma_start3A_434 : memref<1x128x128xf32, #tpu.memory_space<vmem>> -> memref<128x128xf32, #tpu.memory_space<vmem>>
      tpu.enqueue_dma source(%dma_start3A_435 : memref<128x128xf32, #tpu.memory_space<vmem>>) target(%dma_start3A_431 : memref<128x128xf32, #tpu.memory_space<hbm>>) target_semaphore(%arg15 : memref<!tpu.dma_semaphore, #tpu.memory_space<semaphore_mem>>)
      %mul3A_436 = arith.constant 128 : i32
      %mul3A_437 = arith.muli %add3A_408, %mul3A_436 : i32
      %add3A_438 = arith.addi %mul3A_2, %mul3A_437 : i32
      %dma_wait3A_439 = arith.constant 3 : i32
      %dma_wait3A_440 = arith.constant 0 : i32
      %dma_wait3A_441 = arith.constant 0 : i32
      %dma_wait3A_442 = tpu.memref_slice %arg6[%dma_wait3A_439, %dma_wait3A_440, %dma_wait3A_441] : memref<4x128x128xf32, #tpu.memory_space<vmem>> -> memref<1x128x128xf32, #tpu.memory_space<vmem>>
      %dma_wait3A_443 = tpu.memref_squeeze %dma_wait3A_442 : memref<1x128x128xf32, #tpu.memory_space<vmem>> -> memref<128x128xf32, #tpu.memory_space<vmem>>
      %dma_wait3A_444 = arith.constant 0 : i32
      %dma_wait3A_445 = tpu.memref_slice %arg4[%add3A_438, %dma_wait3A_444] : memref<819200x128xf32, #tpu.memory_space<hbm>> -> memref<128x128xf32, #tpu.memory_space<hbm>>
      %dma_wait3A_446 = arith.constant 0 : i32
      %dma_wait3A_447 = tpu.memref_slice %arg4[%add3A_438, %dma_wait3A_446] : memref<819200x128xf32, #tpu.memory_space<hbm>> -> memref<128x128xf32, #tpu.memory_space<hbm>>
      %dma_wait3A_448 = arith.constant 0 : i32
      %dma_wait3A_449 = arith.constant 0 : i32
      %dma_wait3A_450 = tpu.memref_slice %arg6[%dma_wait3A_439, %dma_wait3A_448, %dma_wait3A_449] : memref<4x128x128xf32, #tpu.memory_space<vmem>> -> memref<1x128x128xf32, #tpu.memory_space<vmem>>
      %dma_wait3A_451 = tpu.memref_squeeze %dma_wait3A_450 : memref<1x128x128xf32, #tpu.memory_space<vmem>> -> memref<128x128xf32, #tpu.memory_space<vmem>>
      tpu.wait_dma2 semaphore(%arg15 : memref<!tpu.dma_semaphore, #tpu.memory_space<semaphore_mem>>) src(%dma_wait3A_451 : memref<128x128xf32, #tpu.memory_space<vmem>>) dst(%dma_wait3A_447 : memref<128x128xf32, #tpu.memory_space<hbm>>)
      %add3A_452 = arith.constant 4 : i32
      %add3A_453 = arith.addi %add3A_408, %add3A_452 : i32
      %dma_start3A_454 = arith.constant 3 : i32
      %dma_start3A_455 = arith.constant 0 : i32
      %dma_start3A_456 = arith.constant 0 : i32
      %dma_start3A_457 = tpu.memref_slice %arg6[%dma_start3A_454, %dma_start3A_455, %dma_start3A_456] : memref<4x128x128xf32, #tpu.memory_space<vmem>> -> memref<1x128x128xf32, #tpu.memory_space<vmem>>
      %dma_start3A_458 = tpu.memref_squeeze %dma_start3A_457 : memref<1x128x128xf32, #tpu.memory_space<vmem>> -> memref<128x128xf32, #tpu.memory_space<vmem>>
      %dma_start3A_459 = arith.constant 0 : i32
      %dma_start3A_460 = tpu.memref_slice %arg5[%add3A_453, %dma_start3A_459] : memref<200x128xi32, #tpu.memory_space<vmem>> -> memref<1x128xi32, #tpu.memory_space<vmem>>
      %dma_start3A_461 = tpu.memref_squeeze %dma_start3A_460 : memref<1x128xi32, #tpu.memory_space<vmem>> -> memref<128xi32, #tpu.memory_space<vmem>>
      %dma_start3A_462 = arith.constant 0 : i32
      %dma_start3A_463 = arith.constant 0 : i32
      %dma_start3A_464 = tpu.memref_slice %arg7[%dma_start3A_462, %dma_start3A_463] : memref<200x128xf32, #tpu.memory_space<vmem_shared>> -> memref<200x128xf32, #tpu.memory_space<vmem_shared>>
      tpu.enqueue_indirect_dma source(%dma_start3A_464 : memref<200x128xf32, #tpu.memory_space<vmem_shared>>) target(%dma_start3A_458 : memref<128x128xf32, #tpu.memory_space<vmem>>) offsets(%dma_start3A_461 : memref<128xi32, #tpu.memory_space<vmem>>) semaphore(%arg11 : memref<!tpu.dma_semaphore, #tpu.memory_space<semaphore_mem>>)
    }
    %scan3A_56 = arith.constant 49 : i32
    %dma_wait3A = arith.constant 196 : i32
    %dma_wait3A_57 = arith.constant 0 : i32
    %dma_wait3A_58 = arith.constant 0 : i32
    %dma_wait3A_59 = arith.constant 0 : i32
    %dma_wait3A_60 = tpu.memref_slice %arg6[%dma_wait3A_57, %dma_wait3A_58, %dma_wait3A_59] : memref<4x128x128xf32, #tpu.memory_space<vmem>> -> memref<1x128x128xf32, #tpu.memory_space<vmem>>
    %dma_wait3A_61 = tpu.memref_squeeze %dma_wait3A_60 : memref<1x128x128xf32, #tpu.memory_space<vmem>> -> memref<128x128xf32, #tpu.memory_space<vmem>>
    %dma_wait3A_62 = arith.constant 0 : i32
    %dma_wait3A_63 = tpu.memref_slice %arg5[%dma_wait3A, %dma_wait3A_62] : memref<200x128xi32, #tpu.memory_space<vmem>> -> memref<1x128xi32, #tpu.memory_space<vmem>>
    %dma_wait3A_64 = tpu.memref_squeeze %dma_wait3A_63 : memref<1x128xi32, #tpu.memory_space<vmem>> -> memref<128xi32, #tpu.memory_space<vmem>>
    %dma_wait3A_65 = arith.constant 0 : i32
    %dma_wait3A_66 = arith.constant 0 : i32
    %dma_wait3A_67 = tpu.memref_slice %arg7[%dma_wait3A_65, %dma_wait3A_66] : memref<200x128xf32, #tpu.memory_space<vmem_shared>> -> memref<200x128xf32, #tpu.memory_space<vmem_shared>>
    tpu.wait_indirect_dma semaphore(%arg8 : memref<!tpu.dma_semaphore, #tpu.memory_space<semaphore_mem>>) src(%dma_wait3A_67 : memref<200x128xf32, #tpu.memory_space<vmem_shared>>) dst(%dma_wait3A_61 : memref<128x128xf32, #tpu.memory_space<vmem>>)
    %add3A_68 = arith.constant 25088 : i32
    %add3A_69 = arith.addi %mul3A_2, %add3A_68 : i32
    %dma_start3A_70 = arith.constant 0 : i32
    %dma_start3A_71 = arith.constant 0 : i32
    %dma_start3A_72 = arith.constant 0 : i32
    %dma_start3A_73 = tpu.memref_slice %arg6[%dma_start3A_70, %dma_start3A_71, %dma_start3A_72] : memref<4x128x128xf32, #tpu.memory_space<vmem>> -> memref<1x128x128xf32, #tpu.memory_space<vmem>>
    %dma_start3A_74 = tpu.memref_squeeze %dma_start3A_73 : memref<1x128x128xf32, #tpu.memory_space<vmem>> -> memref<128x128xf32, #tpu.memory_space<vmem>>
    %dma_start3A_75 = arith.constant 0 : i32
    %dma_start3A_76 = tpu.memref_slice %arg4[%add3A_69, %dma_start3A_75] : memref<819200x128xf32, #tpu.memory_space<hbm>> -> memref<128x128xf32, #tpu.memory_space<hbm>>
    %dma_start3A_77 = arith.constant 0 : i32
    %dma_start3A_78 = tpu.memref_slice %arg4[%add3A_69, %dma_start3A_77] : memref<819200x128xf32, #tpu.memory_space<hbm>> -> memref<128x128xf32, #tpu.memory_space<hbm>>
    %dma_start3A_79 = arith.constant 0 : i32
    %dma_start3A_80 = arith.constant 0 : i32
    %dma_start3A_81 = tpu.memref_slice %arg6[%dma_start3A_70, %dma_start3A_79, %dma_start3A_80] : memref<4x128x128xf32, #tpu.memory_space<vmem>> -> memref<1x128x128xf32, #tpu.memory_space<vmem>>
    %dma_start3A_82 = tpu.memref_squeeze %dma_start3A_81 : memref<1x128x128xf32, #tpu.memory_space<vmem>> -> memref<128x128xf32, #tpu.memory_space<vmem>>
    tpu.enqueue_dma source(%dma_start3A_82 : memref<128x128xf32, #tpu.memory_space<vmem>>) target(%dma_start3A_78 : memref<128x128xf32, #tpu.memory_space<hbm>>) target_semaphore(%arg12 : memref<!tpu.dma_semaphore, #tpu.memory_space<semaphore_mem>>)
    %add3A_83 = arith.constant 25088 : i32
    %add3A_84 = arith.addi %mul3A_2, %add3A_83 : i32
    %dma_wait3A_85 = arith.constant 0 : i32
    %dma_wait3A_86 = arith.constant 0 : i32
    %dma_wait3A_87 = arith.constant 0 : i32
    %dma_wait3A_88 = tpu.memref_slice %arg6[%dma_wait3A_85, %dma_wait3A_86, %dma_wait3A_87] : memref<4x128x128xf32, #tpu.memory_space<vmem>> -> memref<1x128x128xf32, #tpu.memory_space<vmem>>
    %dma_wait3A_89 = tpu.memref_squeeze %dma_wait3A_88 : memref<1x128x128xf32, #tpu.memory_space<vmem>> -> memref<128x128xf32, #tpu.memory_space<vmem>>
    %dma_wait3A_90 = arith.constant 0 : i32
    %dma_wait3A_91 = tpu.memref_slice %arg4[%add3A_84, %dma_wait3A_90] : memref<819200x128xf32, #tpu.memory_space<hbm>> -> memref<128x128xf32, #tpu.memory_space<hbm>>
    %dma_wait3A_92 = arith.constant 0 : i32
    %dma_wait3A_93 = tpu.memref_slice %arg4[%add3A_84, %dma_wait3A_92] : memref<819200x128xf32, #tpu.memory_space<hbm>> -> memref<128x128xf32, #tpu.memory_space<hbm>>
    %dma_wait3A_94 = arith.constant 0 : i32
    %dma_wait3A_95 = arith.constant 0 : i32
    %dma_wait3A_96 = tpu.memref_slice %arg6[%dma_wait3A_85, %dma_wait3A_94, %dma_wait3A_95] : memref<4x128x128xf32, #tpu.memory_space<vmem>> -> memref<1x128x128xf32, #tpu.memory_space<vmem>>
    %dma_wait3A_97 = tpu.memref_squeeze %dma_wait3A_96 : memref<1x128x128xf32, #tpu.memory_space<vmem>> -> memref<128x128xf32, #tpu.memory_space<vmem>>
    tpu.wait_dma2 semaphore(%arg12 : memref<!tpu.dma_semaphore, #tpu.memory_space<semaphore_mem>>) src(%dma_wait3A_97 : memref<128x128xf32, #tpu.memory_space<vmem>>) dst(%dma_wait3A_93 : memref<128x128xf32, #tpu.memory_space<hbm>>)
    %dma_wait3A_98 = arith.constant 197 : i32
    %dma_wait3A_99 = arith.constant 1 : i32
    %dma_wait3A_100 = arith.constant 0 : i32
    %dma_wait3A_101 = arith.constant 0 : i32
    %dma_wait3A_102 = tpu.memref_slice %arg6[%dma_wait3A_99, %dma_wait3A_100, %dma_wait3A_101] : memref<4x128x128xf32, #tpu.memory_space<vmem>> -> memref<1x128x128xf32, #tpu.memory_space<vmem>>
    %dma_wait3A_103 = tpu.memref_squeeze %dma_wait3A_102 : memref<1x128x128xf32, #tpu.memory_space<vmem>> -> memref<128x128xf32, #tpu.memory_space<vmem>>
    %dma_wait3A_104 = arith.constant 0 : i32
    %dma_wait3A_105 = tpu.memref_slice %arg5[%dma_wait3A_98, %dma_wait3A_104] : memref<200x128xi32, #tpu.memory_space<vmem>> -> memref<1x128xi32, #tpu.memory_space<vmem>>
    %dma_wait3A_106 = tpu.memref_squeeze %dma_wait3A_105 : memref<1x128xi32, #tpu.memory_space<vmem>> -> memref<128xi32, #tpu.memory_space<vmem>>
    %dma_wait3A_107 = arith.constant 0 : i32
    %dma_wait3A_108 = arith.constant 0 : i32
    %dma_wait3A_109 = tpu.memref_slice %arg7[%dma_wait3A_107, %dma_wait3A_108] : memref<200x128xf32, #tpu.memory_space<vmem_shared>> -> memref<200x128xf32, #tpu.memory_space<vmem_shared>>
    tpu.wait_indirect_dma semaphore(%arg9 : memref<!tpu.dma_semaphore, #tpu.memory_space<semaphore_mem>>) src(%dma_wait3A_109 : memref<200x128xf32, #tpu.memory_space<vmem_shared>>) dst(%dma_wait3A_103 : memref<128x128xf32, #tpu.memory_space<vmem>>)
    %add3A_110 = arith.constant 25216 : i32
    %add3A_111 = arith.addi %mul3A_2, %add3A_110 : i32
    %dma_start3A_112 = arith.constant 1 : i32
    %dma_start3A_113 = arith.constant 0 : i32
    %dma_start3A_114 = arith.constant 0 : i32
    %dma_start3A_115 = tpu.memref_slice %arg6[%dma_start3A_112, %dma_start3A_113, %dma_start3A_114] : memref<4x128x128xf32, #tpu.memory_space<vmem>> -> memref<1x128x128xf32, #tpu.memory_space<vmem>>
    %dma_start3A_116 = tpu.memref_squeeze %dma_start3A_115 : memref<1x128x128xf32, #tpu.memory_space<vmem>> -> memref<128x128xf32, #tpu.memory_space<vmem>>
    %dma_start3A_117 = arith.constant 0 : i32
    %dma_start3A_118 = tpu.memref_slice %arg4[%add3A_111, %dma_start3A_117] : memref<819200x128xf32, #tpu.memory_space<hbm>> -> memref<128x128xf32, #tpu.memory_space<hbm>>
    %dma_start3A_119 = arith.constant 0 : i32
    %dma_start3A_120 = tpu.memref_slice %arg4[%add3A_111, %dma_start3A_119] : memref<819200x128xf32, #tpu.memory_space<hbm>> -> memref<128x128xf32, #tpu.memory_space<hbm>>
    %dma_start3A_121 = arith.constant 0 : i32
    %dma_start3A_122 = arith.constant 0 : i32
    %dma_start3A_123 = tpu.memref_slice %arg6[%dma_start3A_112, %dma_start3A_121, %dma_start3A_122] : memref<4x128x128xf32, #tpu.memory_space<vmem>> -> memref<1x128x128xf32, #tpu.memory_space<vmem>>
    %dma_start3A_124 = tpu.memref_squeeze %dma_start3A_123 : memref<1x128x128xf32, #tpu.memory_space<vmem>> -> memref<128x128xf32, #tpu.memory_space<vmem>>
    tpu.enqueue_dma source(%dma_start3A_124 : memref<128x128xf32, #tpu.memory_space<vmem>>) target(%dma_start3A_120 : memref<128x128xf32, #tpu.memory_space<hbm>>) target_semaphore(%arg13 : memref<!tpu.dma_semaphore, #tpu.memory_space<semaphore_mem>>)
    %add3A_125 = arith.constant 25216 : i32
    %add3A_126 = arith.addi %mul3A_2, %add3A_125 : i32
    %dma_wait3A_127 = arith.constant 1 : i32
    %dma_wait3A_128 = arith.constant 0 : i32
    %dma_wait3A_129 = arith.constant 0 : i32
    %dma_wait3A_130 = tpu.memref_slice %arg6[%dma_wait3A_127, %dma_wait3A_128, %dma_wait3A_129] : memref<4x128x128xf32, #tpu.memory_space<vmem>> -> memref<1x128x128xf32, #tpu.memory_space<vmem>>
    %dma_wait3A_131 = tpu.memref_squeeze %dma_wait3A_130 : memref<1x128x128xf32, #tpu.memory_space<vmem>> -> memref<128x128xf32, #tpu.memory_space<vmem>>
    %dma_wait3A_132 = arith.constant 0 : i32
    %dma_wait3A_133 = tpu.memref_slice %arg4[%add3A_126, %dma_wait3A_132] : memref<819200x128xf32, #tpu.memory_space<hbm>> -> memref<128x128xf32, #tpu.memory_space<hbm>>
    %dma_wait3A_134 = arith.constant 0 : i32
    %dma_wait3A_135 = tpu.memref_slice %arg4[%add3A_126, %dma_wait3A_134] : memref<819200x128xf32, #tpu.memory_space<hbm>> -> memref<128x128xf32, #tpu.memory_space<hbm>>
    %dma_wait3A_136 = arith.constant 0 : i32
    %dma_wait3A_137 = arith.constant 0 : i32
    %dma_wait3A_138 = tpu.memref_slice %arg6[%dma_wait3A_127, %dma_wait3A_136, %dma_wait3A_137] : memref<4x128x128xf32, #tpu.memory_space<vmem>> -> memref<1x128x128xf32, #tpu.memory_space<vmem>>
    %dma_wait3A_139 = tpu.memref_squeeze %dma_wait3A_138 : memref<1x128x128xf32, #tpu.memory_space<vmem>> -> memref<128x128xf32, #tpu.memory_space<vmem>>
    tpu.wait_dma2 semaphore(%arg13 : memref<!tpu.dma_semaphore, #tpu.memory_space<semaphore_mem>>) src(%dma_wait3A_139 : memref<128x128xf32, #tpu.memory_space<vmem>>) dst(%dma_wait3A_135 : memref<128x128xf32, #tpu.memory_space<hbm>>)
    %dma_wait3A_140 = arith.constant 198 : i32
    %dma_wait3A_141 = arith.constant 2 : i32
    %dma_wait3A_142 = arith.constant 0 : i32
    %dma_wait3A_143 = arith.constant 0 : i32
    %dma_wait3A_144 = tpu.memref_slice %arg6[%dma_wait3A_141, %dma_wait3A_142, %dma_wait3A_143] : memref<4x128x128xf32, #tpu.memory_space<vmem>> -> memref<1x128x128xf32, #tpu.memory_space<vmem>>
    %dma_wait3A_145 = tpu.memref_squeeze %dma_wait3A_144 : memref<1x128x128xf32, #tpu.memory_space<vmem>> -> memref<128x128xf32, #tpu.memory_space<vmem>>
    %dma_wait3A_146 = arith.constant 0 : i32
    %dma_wait3A_147 = tpu.memref_slice %arg5[%dma_wait3A_140, %dma_wait3A_146] : memref<200x128xi32, #tpu.memory_space<vmem>> -> memref<1x128xi32, #tpu.memory_space<vmem>>
    %dma_wait3A_148 = tpu.memref_squeeze %dma_wait3A_147 : memref<1x128xi32, #tpu.memory_space<vmem>> -> memref<128xi32, #tpu.memory_space<vmem>>
    %dma_wait3A_149 = arith.constant 0 : i32
    %dma_wait3A_150 = arith.constant 0 : i32
    %dma_wait3A_151 = tpu.memref_slice %arg7[%dma_wait3A_149, %dma_wait3A_150] : memref<200x128xf32, #tpu.memory_space<vmem_shared>> -> memref<200x128xf32, #tpu.memory_space<vmem_shared>>
    tpu.wait_indirect_dma semaphore(%arg10 : memref<!tpu.dma_semaphore, #tpu.memory_space<semaphore_mem>>) src(%dma_wait3A_151 : memref<200x128xf32, #tpu.memory_space<vmem_shared>>) dst(%dma_wait3A_145 : memref<128x128xf32, #tpu.memory_space<vmem>>)
    %add3A_152 = arith.constant 25344 : i32
    %add3A_153 = arith.addi %mul3A_2, %add3A_152 : i32
    %dma_start3A_154 = arith.constant 2 : i32
    %dma_start3A_155 = arith.constant 0 : i32
    %dma_start3A_156 = arith.constant 0 : i32
    %dma_start3A_157 = tpu.memref_slice %arg6[%dma_start3A_154, %dma_start3A_155, %dma_start3A_156] : memref<4x128x128xf32, #tpu.memory_space<vmem>> -> memref<1x128x128xf32, #tpu.memory_space<vmem>>
    %dma_start3A_158 = tpu.memref_squeeze %dma_start3A_157 : memref<1x128x128xf32, #tpu.memory_space<vmem>> -> memref<128x128xf32, #tpu.memory_space<vmem>>
    %dma_start3A_159 = arith.constant 0 : i32
    %dma_start3A_160 = tpu.memref_slice %arg4[%add3A_153, %dma_start3A_159] : memref<819200x128xf32, #tpu.memory_space<hbm>> -> memref<128x128xf32, #tpu.memory_space<hbm>>
    %dma_start3A_161 = arith.constant 0 : i32
    %dma_start3A_162 = tpu.memref_slice %arg4[%add3A_153, %dma_start3A_161] : memref<819200x128xf32, #tpu.memory_space<hbm>> -> memref<128x128xf32, #tpu.memory_space<hbm>>
    %dma_start3A_163 = arith.constant 0 : i32
    %dma_start3A_164 = arith.constant 0 : i32
    %dma_start3A_165 = tpu.memref_slice %arg6[%dma_start3A_154, %dma_start3A_163, %dma_start3A_164] : memref<4x128x128xf32, #tpu.memory_space<vmem>> -> memref<1x128x128xf32, #tpu.memory_space<vmem>>
    %dma_start3A_166 = tpu.memref_squeeze %dma_start3A_165 : memref<1x128x128xf32, #tpu.memory_space<vmem>> -> memref<128x128xf32, #tpu.memory_space<vmem>>
    tpu.enqueue_dma source(%dma_start3A_166 : memref<128x128xf32, #tpu.memory_space<vmem>>) target(%dma_start3A_162 : memref<128x128xf32, #tpu.memory_space<hbm>>) target_semaphore(%arg14 : memref<!tpu.dma_semaphore, #tpu.memory_space<semaphore_mem>>)
    %add3A_167 = arith.constant 25344 : i32
    %add3A_168 = arith.addi %mul3A_2, %add3A_167 : i32
    %dma_wait3A_169 = arith.constant 2 : i32
    %dma_wait3A_170 = arith.constant 0 : i32
    %dma_wait3A_171 = arith.constant 0 : i32
    %dma_wait3A_172 = tpu.memref_slice %arg6[%dma_wait3A_169, %dma_wait3A_170, %dma_wait3A_171] : memref<4x128x128xf32, #tpu.memory_space<vmem>> -> memref<1x128x128xf32, #tpu.memory_space<vmem>>
    %dma_wait3A_173 = tpu.memref_squeeze %dma_wait3A_172 : memref<1x128x128xf32, #tpu.memory_space<vmem>> -> memref<128x128xf32, #tpu.memory_space<vmem>>
    %dma_wait3A_174 = arith.constant 0 : i32
    %dma_wait3A_175 = tpu.memref_slice %arg4[%add3A_168, %dma_wait3A_174] : memref<819200x128xf32, #tpu.memory_space<hbm>> -> memref<128x128xf32, #tpu.memory_space<hbm>>
    %dma_wait3A_176 = arith.constant 0 : i32
    %dma_wait3A_177 = tpu.memref_slice %arg4[%add3A_168, %dma_wait3A_176] : memref<819200x128xf32, #tpu.memory_space<hbm>> -> memref<128x128xf32, #tpu.memory_space<hbm>>
    %dma_wait3A_178 = arith.constant 0 : i32
    %dma_wait3A_179 = arith.constant 0 : i32
    %dma_wait3A_180 = tpu.memref_slice %arg6[%dma_wait3A_169, %dma_wait3A_178, %dma_wait3A_179] : memref<4x128x128xf32, #tpu.memory_space<vmem>> -> memref<1x128x128xf32, #tpu.memory_space<vmem>>
    %dma_wait3A_181 = tpu.memref_squeeze %dma_wait3A_180 : memref<1x128x128xf32, #tpu.memory_space<vmem>> -> memref<128x128xf32, #tpu.memory_space<vmem>>
    tpu.wait_dma2 semaphore(%arg14 : memref<!tpu.dma_semaphore, #tpu.memory_space<semaphore_mem>>) src(%dma_wait3A_181 : memref<128x128xf32, #tpu.memory_space<vmem>>) dst(%dma_wait3A_177 : memref<128x128xf32, #tpu.memory_space<hbm>>)
    %dma_wait3A_182 = arith.constant 199 : i32
    %dma_wait3A_183 = arith.constant 3 : i32
    %dma_wait3A_184 = arith.constant 0 : i32
    %dma_wait3A_185 = arith.constant 0 : i32
    %dma_wait3A_186 = tpu.memref_slice %arg6[%dma_wait3A_183, %dma_wait3A_184, %dma_wait3A_185] : memref<4x128x128xf32, #tpu.memory_space<vmem>> -> memref<1x128x128xf32, #tpu.memory_space<vmem>>
    %dma_wait3A_187 = tpu.memref_squeeze %dma_wait3A_186 : memref<1x128x128xf32, #tpu.memory_space<vmem>> -> memref<128x128xf32, #tpu.memory_space<vmem>>
    %dma_wait3A_188 = arith.constant 0 : i32
    %dma_wait3A_189 = tpu.memref_slice %arg5[%dma_wait3A_182, %dma_wait3A_188] : memref<200x128xi32, #tpu.memory_space<vmem>> -> memref<1x128xi32, #tpu.memory_space<vmem>>
    %dma_wait3A_190 = tpu.memref_squeeze %dma_wait3A_189 : memref<1x128xi32, #tpu.memory_space<vmem>> -> memref<128xi32, #tpu.memory_space<vmem>>
    %dma_wait3A_191 = arith.constant 0 : i32
    %dma_wait3A_192 = arith.constant 0 : i32
    %dma_wait3A_193 = tpu.memref_slice %arg7[%dma_wait3A_191, %dma_wait3A_192] : memref<200x128xf32, #tpu.memory_space<vmem_shared>> -> memref<200x128xf32, #tpu.memory_space<vmem_shared>>
    tpu.wait_indirect_dma semaphore(%arg11 : memref<!tpu.dma_semaphore, #tpu.memory_space<semaphore_mem>>) src(%dma_wait3A_193 : memref<200x128xf32, #tpu.memory_space<vmem_shared>>) dst(%dma_wait3A_187 : memref<128x128xf32, #tpu.memory_space<vmem>>)
    %add3A_194 = arith.constant 25472 : i32
    %add3A_195 = arith.addi %mul3A_2, %add3A_194 : i32
    %dma_start3A_196 = arith.constant 3 : i32
    %dma_start3A_197 = arith.constant 0 : i32
    %dma_start3A_198 = arith.constant 0 : i32
    %dma_start3A_199 = tpu.memref_slice %arg6[%dma_start3A_196, %dma_start3A_197, %dma_start3A_198] : memref<4x128x128xf32, #tpu.memory_space<vmem>> -> memref<1x128x128xf32, #tpu.memory_space<vmem>>
    %dma_start3A_200 = tpu.memref_squeeze %dma_start3A_199 : memref<1x128x128xf32, #tpu.memory_space<vmem>> -> memref<128x128xf32, #tpu.memory_space<vmem>>
    %dma_start3A_201 = arith.constant 0 : i32
    %dma_start3A_202 = tpu.memref_slice %arg4[%add3A_195, %dma_start3A_201] : memref<819200x128xf32, #tpu.memory_space<hbm>> -> memref<128x128xf32, #tpu.memory_space<hbm>>
    %dma_start3A_203 = arith.constant 0 : i32
    %dma_start3A_204 = tpu.memref_slice %arg4[%add3A_195, %dma_start3A_203] : memref<819200x128xf32, #tpu.memory_space<hbm>> -> memref<128x128xf32, #tpu.memory_space<hbm>>
    %dma_start3A_205 = arith.constant 0 : i32
    %dma_start3A_206 = arith.constant 0 : i32
    %dma_start3A_207 = tpu.memref_slice %arg6[%dma_start3A_196, %dma_start3A_205, %dma_start3A_206] : memref<4x128x128xf32, #tpu.memory_space<vmem>> -> memref<1x128x128xf32, #tpu.memory_space<vmem>>
    %dma_start3A_208 = tpu.memref_squeeze %dma_start3A_207 : memref<1x128x128xf32, #tpu.memory_space<vmem>> -> memref<128x128xf32, #tpu.memory_space<vmem>>
    tpu.enqueue_dma source(%dma_start3A_208 : memref<128x128xf32, #tpu.memory_space<vmem>>) target(%dma_start3A_204 : memref<128x128xf32, #tpu.memory_space<hbm>>) target_semaphore(%arg15 : memref<!tpu.dma_semaphore, #tpu.memory_space<semaphore_mem>>)
    %add3A_209 = arith.constant 25472 : i32
    %add3A_210 = arith.addi %mul3A_2, %add3A_209 : i32
    %dma_wait3A_211 = arith.constant 3 : i32
    %dma_wait3A_212 = arith.constant 0 : i32
    %dma_wait3A_213 = arith.constant 0 : i32
    %dma_wait3A_214 = tpu.memref_slice %arg6[%dma_wait3A_211, %dma_wait3A_212, %dma_wait3A_213] : memref<4x128x128xf32, #tpu.memory_space<vmem>> -> memref<1x128x128xf32, #tpu.memory_space<vmem>>
    %dma_wait3A_215 = tpu.memref_squeeze %dma_wait3A_214 : memref<1x128x128xf32, #tpu.memory_space<vmem>> -> memref<128x128xf32, #tpu.memory_space<vmem>>
    %dma_wait3A_216 = arith.constant 0 : i32
    %dma_wait3A_217 = tpu.memref_slice %arg4[%add3A_210, %dma_wait3A_216] : memref<819200x128xf32, #tpu.memory_space<hbm>> -> memref<128x128xf32, #tpu.memory_space<hbm>>
    %dma_wait3A_218 = arith.constant 0 : i32
    %dma_wait3A_219 = tpu.memref_slice %arg4[%add3A_210, %dma_wait3A_218] : memref<819200x128xf32, #tpu.memory_space<hbm>> -> memref<128x128xf32, #tpu.memory_space<hbm>>
    %dma_wait3A_220 = arith.constant 0 : i32
    %dma_wait3A_221 = arith.constant 0 : i32
    %dma_wait3A_222 = tpu.memref_slice %arg6[%dma_wait3A_211, %dma_wait3A_220, %dma_wait3A_221] : memref<4x128x128xf32, #tpu.memory_space<vmem>> -> memref<1x128x128xf32, #tpu.memory_space<vmem>>
    %dma_wait3A_223 = tpu.memref_squeeze %dma_wait3A_222 : memref<1x128x128xf32, #tpu.memory_space<vmem>> -> memref<128x128xf32, #tpu.memory_space<vmem>>
    tpu.wait_dma2 semaphore(%arg15 : memref<!tpu.dma_semaphore, #tpu.memory_space<semaphore_mem>>) src(%dma_wait3A_223 : memref<128x128xf32, #tpu.memory_space<vmem>>) dst(%dma_wait3A_219 : memref<128x128xf32, #tpu.memory_space<hbm>>)
    return
  }
}

module attributes {stable_mosaic.version = 14 : i64} {
  func.func @_reduce_table_body(%arg0: memref<200x512xf32, #tpu.memory_space<vmem>>, %arg1: memref<200x128xf32, #tpu.memory_space<vmem>>) attributes {dimension_semantics = [], scalar_prefetch = 0 : i64, scratch_operands = 0 : i64, tpu.core_type = #tpu.core_type<tc>} {
    %get3A = arith.constant 0 : index
    %get3A_0 = arith.constant 0 : index
    %get3A_1 = vector.load %arg0[%get3A, %get3A_0] : memref<200x512xf32, #tpu.memory_space<vmem>>, vector<200x512xf32>
    %slice3A = vector.extract_strided_slice %get3A_1 {offsets = [0, 0], sizes = [200, 128], strides = [1, 1]} : vector<200x512xf32> to vector<200x128xf32>
    %slice3A_2 = vector.extract_strided_slice %get3A_1 {offsets = [0, 128], sizes = [200, 128], strides = [1, 1]} : vector<200x512xf32> to vector<200x128xf32>
    %add3A = arith.addf %slice3A, %slice3A_2 : vector<200x128xf32>
    %slice3A_3 = vector.extract_strided_slice %get3A_1 {offsets = [0, 256], sizes = [200, 128], strides = [1, 1]} : vector<200x512xf32> to vector<200x128xf32>
    %add3A_4 = arith.addf %add3A, %slice3A_3 : vector<200x128xf32>
    %slice3A_5 = vector.extract_strided_slice %get3A_1 {offsets = [0, 384], sizes = [200, 128], strides = [1, 1]} : vector<200x512xf32> to vector<200x128xf32>
    %add3A_6 = arith.addf %add3A_4, %slice3A_5 : vector<200x128xf32>
    %mul3A = arith.constant 2.500000e-01 : f32
    %mul3A_7 = vector.broadcast %mul3A : f32 to vector<200x128xf32>
    %mul3A_8 = arith.mulf %add3A_6, %mul3A_7 : vector<200x128xf32>
    %swap3A = arith.constant 0 : index
    %swap3A_9 = arith.constant 0 : index
    %swap3A_10 = vector.load %arg1[%swap3A, %swap3A_9] : memref<200x128xf32, #tpu.memory_space<vmem>>, vector<200x128xf32>
    tpu.vector_store %arg1[%swap3A, %swap3A_9], %mul3A_8 {strides = array<i32>} : memref<200x128xf32, #tpu.memory_space<vmem>>, vector<200x128xf32>,
    return
  }
}

</mosaic_0001>

<sc_bundles>
// kernel: kernel.4.cloned.1.call-start
scs
__scs_entry_jumppad:
0x0: {  	(pc) =	sbr.rel $0x88, $3  }
0x1: {  	(tag) =	ssettag $0x0;
	lr =	simm.s32 $0x1  }
0x2: {  	[smem:$0x3F9F] =	sst lr;
	_ =	strace $0xD0000000  }
0x3: {  	_ = 	snop  }
0x4: {  	_ = 	snop  }
0x5: {  	_ = 	snop  }
0x6: {  	_ = 	snop  }
0x7: {  	_ = 	snop  }
__scs_overlays_trampoline_lowered:
0x8: {  	[smem:$0x3FAE] =	sst s0  }
0x9: {  	[smem:$0x3FAF] =	sst s1  }
0xa: {  	[smem:$0x3FB0] =	sst s2  }
0xb: {  	[smem:$0x3FB1] =	sst s3  }
0xc: {  	[smem:$0x3FB2] =	sst s4  }
0xd: {  	[smem:$0x3FB3] =	sst s5  }
0xe: {  	[smem:$0x3FB4] =	sst s6  }
0xf: {  	[smem:$0x3FB5] =	sst s7  }
0x10: {  	[smem:$0x3FB6] =	sst s8  }
0x11: {  	[smem:$0x3FB7] =	sst s9;
	s0 =	simm.s32 @!p0 $0x0  }
0x12: {  	s1 =	sld [smem:$0x3F9D];
	s0 =	simm.s32 @p0 $0x1  }
0x13: {  	[smem:$0x3FB8] =	sst s0;
	s0 =	simm.s32 @!p1 $0x0  }
0x14: {  	s2 =	sld [smem:$0x3F9C];
	s0 =	simm.s32 @p1 $0x1  }
0x15: {  	[smem:$0x3FB9] =	sst s0;
	s0 =	simm.s32 @!p2 $0x0  }
0x16: {  	s3 =	sld [smem:$0x3FDB];
	s0 =	simm.s32 @p2 $0x1  }
0x17: {  	s4 =	simm.s32 $0x1BF5;
	[smem:$0x3FBB] =	sst s0  }
0x18: {  	s0 =	sld [smem:$0x3F9E];
	_ =	swait.ge [sflag:s4], $0x0  }
0x19: {  	s7 =	sld [smem:$0x3F9F]  }
0x1a: {  	s8 =	sadd.s32 $0xFFFFE003, lr  }
0x1b: {  	s9 =	sadd.s32 $0xFFFFFEF7, lr;
	s5 =	simm.s32 $0xFFFFFFFF;
	p2 =	slt.u32 s8, $0xFFFFF086  }
0x1c: {  	p1 =	slt.u32 s9, $0xF7A;
	s5 =	simm.s32 @!p2 $0x0  }
0x1d: {  	s5 =	simm.s32 @p1 $0x1;
	p0 =	seq.s32 s7, s2  }
0x1e: {  	s7 =	smul.u32 @!p0 $0xF7A, s2;
	p2 =	seq.s32 @!p0 s5, $0x0  }
0x1f: {  	s9 =	smul.u32 $0xF7A, s1;
	s8 =	simm.s32 @!p0 $0x1BF5;
	p2 =	por !p2, p0  }
0x20: {  	[sflag:s8] =	ssyncset.s32 @!p0 $0xFFFFF086;
	s6 =	sadd.s32 @!p0 s3, s7;
	s7 =	simm.s32 @!p0 $0x108  }
0x21: {  	s3 =	sadd.s32 s3, s9;
	s6 =	sadd.s32 @!p0 $0x88, s6;
	s7 =	simm.s32 @p2 $0x1082  }
0x22: {  	[simem:s7], [sflag:s8] =	dma.local @!p0 [hbm:s6], $0xF7A  }
0x23: {  	s9 =	sor.u32 $0xD0000000, s2;
	s6 =	simm.s32 $0x108;
	_ =	swait.ge @!p0 [sflag:s8], $0x0  }
0x24: {  	s3 =	sadd.s32 $0x88, s3;
	s6 =	simm.s32 @!p1 $0x1082;
	[sflag:s4] =	ssyncset.s32 $0xFFFFF086  }
0x25: {  	[simem:s6], [sflag:s4] =	dma.local [hbm:s3], $0xF7A  }
0x26: {  	[smem:$0x3F9F] =	sst s1;
	(tag) =	ssettag s2;
	_ =	strace s9  }
0x27: {  	s1 =	sld [smem:$0x3FAF]  }
0x28: {  	s2 =	sld [smem:$0x3FB0]  }
0x29: {  	s4 =	sld [smem:$0x3FB2]  }
0x2a: {  	p0 =	seq.s32 s5, $0x0;
	s5 =	sld [smem:$0x3FB3]  }
0x2b: {  	s6 =	sld [smem:$0x3FB4]  }
0x2c: {  	s7 =	sld [smem:$0x3FB5]  }
0x2d: {  	s3 =	simm.s32 $0x108;
	s8 =	sld [smem:$0x3FB6]  }
0x2e: {  	s3 =	simm.s32 @!p0 $0x1082;
	s9 =	sld [smem:$0x3FB7]  }
0x2f: {  	lr =	sadd.s32 s0, s3;
	s0 =	sld [smem:$0x3FAE]  }
0x30: {  	s3 =	sld [smem:$0x3FB1]  }
0x31: {  	[smem:$0x3FBA] =	sst s10  }
0x32: {  	s10 =	sld [smem:$0x3FB8];
	_ =	sdelay $0x3  }
0x33: {  	p0 =	seq.s32 s10, $0x1;
	s10 =	sld [smem:$0x3FBA];
	_ =	sdelay $0x3  }
0x34: {  	[smem:$0x3FBA] =	sst s10  }
0x35: {  	s10 =	sld [smem:$0x3FB9];
	_ =	sdelay $0x3  }
0x36: {  	p1 =	seq.s32 s10, $0x1;
	s10 =	sld [smem:$0x3FBA];
	_ =	sdelay $0x3  }
0x37: {  	[smem:$0x3FBA] =	sst s10  }
0x38: {  	s10 =	sld [smem:$0x3FBB]  }
0x39: {  	_ = 	snop;
	(pc) =	sbr.ind lr, $3  }
0x3a: {  	_ = 	snop  }
0x3b: {  	_ = 	snop  }
0x3c: {  	p2 =	seq.s32 s10, $0x1;
	s10 =	sld [smem:$0x3FBA]  }
0x3d: {  	_ =	shalt  }
0x3e: {  	_ =	shalt  }
0x3f: {  	_ =	shalt  }
0x40: {  	_ =	shalt  }
0x41: {  	_ =	shalt  }
0x42: {  	_ =	shalt  }
0x43: {  	_ =	shalt  }
0x44: {  	_ =	shalt  }
0x45: {  	_ =	shalt  }
0x46: {  	_ =	shalt  }
0x47: {  	_ =	shalt  }
0x48: {  	_ =	shalt  }
0x49: {  	_ =	shalt  }
0x4a: {  	_ =	shalt  }
0x4b: {  	_ =	shalt  }
0x4c: {  	_ =	shalt  }
0x4d: {  	_ =	shalt  }
0x4e: {  	_ =	shalt  }
0x4f: {  	_ =	shalt  }
0x50: {  	_ =	shalt  }
0x51: {  	_ =	shalt  }
0x52: {  	_ =	shalt  }
0x53: {  	_ =	shalt  }
0x54: {  	_ =	shalt  }
0x55: {  	_ =	shalt  }
0x56: {  	_ =	shalt  }
0x57: {  	_ =	shalt  }
0x58: {  	_ =	shalt  }
0x59: {  	_ =	shalt  }
0x5a: {  	_ =	shalt  }
0x5b: {  	_ =	shalt  }
0x5c: {  	_ =	shalt  }
0x5d: {  	_ =	shalt  }
0x5e: {  	_ =	shalt  }
0x5f: {  	_ =	shalt  }
0x60: {  	_ =	shalt  }
0x61: {  	_ =	shalt  }
0x62: {  	_ =	shalt  }
0x63: {  	_ =	shalt  }
0x64: {  	_ =	shalt  }
0x65: {  	_ =	shalt  }
0x66: {  	_ =	shalt  }
0x67: {  	_ =	shalt  }
0x68: {  	_ =	shalt  }
0x69: {  	_ =	shalt  }
0x6a: {  	_ =	shalt  }
0x6b: {  	_ =	shalt  }
0x6c: {  	_ =	shalt  }
0x6d: {  	_ =	shalt  }
0x6e: {  	_ =	shalt  }
0x6f: {  	_ =	shalt  }
0x70: {  	_ =	shalt  }
0x71: {  	_ =	shalt  }
0x72: {  	_ =	shalt  }
0x73: {  	_ =	shalt  }
0x74: {  	_ =	shalt  }
0x75: {  	_ =	shalt  }
0x76: {  	_ =	shalt  }
0x77: {  	_ =	shalt  }
0x78: {  	_ =	shalt  }
0x79: {  	_ =	shalt  }
0x7a: {  	_ =	shalt  }
0x7b: {  	_ =	shalt  }
0x7c: {  	_ =	shalt  }
0x7d: {  	_ =	shalt  }
0x7e: {  	_ =	shalt  }
0x7f: {  	_ =	shalt  }
0x80: {  	_ =	shalt  }
0x81: {  	_ =	shalt  }
0x82: {  	_ =	shalt  }
0x83: {  	_ =	shalt  }
0x84: {  	_ =	shalt  }
0x85: {  	_ =	shalt  }
0x86: {  	_ =	shalt  }
0x87: {  	_ =	shalt  }
.Lfunc_end0:
.L_simem_size_0:
called_computation_lowered:
.L_overlay_start_0:
0x88: {  	s2 =	sld [smem:$0x3FD9]  }
0x89: {  	s3 =	sld [smem:$0x3FFE];
	_ =	sdelay $0x1  }
0x8a: {  	s1 =	srdreg.scid  }
0x8b: {  	s0 =	sand.u32 $0x1, s1  }
0x8c: {  	s17 =	sshll.u32 s0, $0xA;
	s2 =	sadd.s32 s3, s2  }
0x8d: {  	s2 =	sadd.s32 s2, s17  }
0x8e: {  	[smem:$0x3FC6] =	sst s2  }
0x8f: {  	_ = 	snop  }
0x90: {  	s2 =	sld [smem:$0x3FD0];
	(tm) =	ssettm $0x1  }
0x91: {  	s18 =	sld [smem:$0x3FFB];
	_ =	sdelay $0x3  }
0x92: {  	_ =	strace s18  }
0x93: {  	s3 =	sld [smem:$0x3FFC];
	_ =	sdelay $0x3  }
0x94: {  	_ =	strace s3  }
0x95: {  	s3 =	sld [smem:$0x3FFD];
	_ =	sdelay $0x3  }
0x96: {  	_ =	strace s3  }
0x97: {  	_ =	strace $0x8FFFFFFF  }
0x98: {  	s19 =	sld [smem:$0x3FDB];
	_ =	sdelay $0x1  }
0x99: {  	s4 =	simm.s32 $_scs_section_size  }
0x9a: {  	s5 =	simm.s32 $_size__tile_overlayer_lowered;
	s6 =	simm.s32 $_tile_overlayer_lowered  }
0x9b: {  	s22 =	simm.s32 $0x1BFF;
	s21 =	sshll.u32 s6, $0x1;
	s3 =	sadd.s32 s4, s19  }
0x9c: {  	s7 =	simm.s32 $0x0;
	s20 =	sshll.u32 s5, $0x1;
	s5 =	sadd.s32 s21, s3  }
0x9d: {  	[timem:s7], [sflag:s22] =	dma.local [hbm:s5], s20  }
0x9e: {  	_ =	swait.ge [sflag:s22], s20  }
0x9f: {  	s4 =	ssub.s32 $0x0, s20;
	[sflag:s22] =	ssyncset.done $0x0  }
0xa0: {  	[sflag:s22] =	ssyncadd.s32 s4;
	_ =	sdelay $0x1  }
0xa1: {  	s23 =	simm.s32 $0x1B8B  }
0xa2: {  	_ =	swait.ge [sflag:s23], $0x1  }
0xa3: {  	[sflag:s23] =	ssyncset.done $0x0  }
0xa4: {  	s25 =	simm.s32 $0x1B8E;
	s24 =	sld [smem:$0x3FFE];
	[sflag:s23] =	ssyncadd.s32 $0xFFFFFFFF  }
0xa5: {  	s26 =	simm.s32 $execute0_lowered;
	[smem:$0x3FD2] =	sst s25  }
0xa6: {  	s5 =	sshll.u32 s26, $0x1;
	_ =	strace $0x80000046;
	[dreg:$0x1] =	wrdreg $0xFFFFFFFF  }
0xa7: {  	s28 =	simm.s32 $_size_execute0_lowered;
	s3 =	sadd.s32 s3, s5;
	[dreg:$0x0] =	wrdreg $0x0  }
0xa8: {  	s5 =	sshll.u32 s28, $0x1;
	[dreg:$0x2] =	wrdreg s3  }
0xa9: {  	[dreg:$0x3] =	wrdreg s5  }
0xaa: {  	[dreg:$0x4] =	wrdreg $0xC0  }
0xab: {  	_ =	task [dreg:s7], $0x5FFFF  }
0xac: {  	[dreg:$0x1] =	wrdreg $0xFFFFFFFF  }
0xad: {  	[dreg:$0x0] =	wrdreg $0x60  }
0xae: {  	[dreg:$0x2] =	wrdreg s24  }
0xaf: {  	[dreg:$0x3] =	wrdreg s2  }
0xb0: {  	[dreg:$0x4] =	wrdreg $0x164000  }
0xb1: {  	[dreg:$0x5] =	wrdreg $0x9  }
0xb2: {  	_ =	task.clear_ibuf [dreg:s7], $0x6FFFF;
	_ =	strace $0x90000046  }
0xb3: {  	s29 =	simm.s32 $0x9;
	_ =	strace $0x80000048  }
0xb4: {  	_ =	swait.ge [sflag:s29], $0x1  }
0xb5: {  	[sflag:s29] =	ssyncadd.s32 $0xFFFFFFFF  }
0xb6: {  	_ =	strace $0x90000048  }
0xb7: {  	_ =	sfence  }
0xb8: {  	s30 =	sld [smem:$0x0];
	_ =	sdelay $0x2  }
0xb9: {  	s31 =	sshll.u32 s1, $0xD;
	s1 =	sshrl.u32 s1, $0x2  }
0xba: {  	s3 =	sand.u32 $0x4000, s31;
	s1 =	sadd.s32 s1, s30  }
0xbb: {  	s0 =	sor.u32 s3, s0;
	s1 =	sshll.u32 s1, $0x11  }
0xbc: {  	s0 =	sor.u32 s1, s0  }
0xbd: {  	s0 =	sadd.s32 $0x8F2B, s0  }
0xbe: {  	[sflag:s0] =	ssyncadd.remote.s32 $0x1  }
0xbf: {  	_ =	sfence.sel $0xFFFF  }
0xc0: {  	[dreg:$0x0] =	wrdreg $0xFFFFFFFF;
	(pc) =	sbr.abs _section_cstart, $3  }
0xc1: {  	[dreg:$0x1] =	wrdreg $0xFFFFFFFF  }
0xc2: {  	_ =	task.clear_ibuf [dreg:s7], $0x2FFFF;
	_ =	strace $0x9FFFFFFF  }
0xc3: {  	(tm) =	ssettm $0x7FFFFFFF  }
tec
execute0_lowered:
.L_overlay_start_1:
0x0: {  	(tag) =	ssettag $0x1  }
0x1: {  	s0 =	srdreg.scid  }
0x2: {  	s12 =	stileid.u32;
	s3 =	rddreg [dreg:$0x0]  }
0x3: {  	s10 =	rddreg [dreg:$0x1];
	s2 =	simm.s32 $0x0;
	s15 =	simm.s32 $0x6400  }
0x4: {  	s16 =	simm.s32 $0xA400;
	s18 =	simm.s32 $0xE400;
	s20 =	simm.s32 $0x12400  }
0x5: {  	s21 =	simm.s32 $0x1;
	s22 =	simm.s32 $0x5;
	s23 =	simm.s32 $0x2  }
0x6: {  	s24 =	simm.s32 $0x6;
	s25 =	simm.s32 $0x3;
	s26 =	simm.s32 $0x7  }
0x7: {  	s28 =	simm.s32 $0x4;
	s29 =	simm.s32 $0x8;
	s11 =	smul.u32 $0x640000, s12  }
0x8: {  	s30 =	simm.s32 $0x0;
	s0 =	sand.u32 $0x1, s0;
	s14 =	smul.u32 $0xC8000, s12  }
0x9: {  	s1 =	sshll.u32 s12, $0x1;
	[smem:$0x7FF] =	sst s2;
	s13 =	smul.u32 $0x320000, s0  }
0xa: {  	s4 =	sor.u32 s0, s1;
	s6 =	ssub.s32 $0x2, s0;
	s0 =	smul.u32 $0x64000, s0  }
0xb: {  	p0 =	sne.s32 s12, $0x0;
	s1 =	rddreg [dreg:$0x2];
	s5 =	smul.u32 $0x6400, s4  }
0xc: {  	_ =	strace $0x80000047;
	s4 =	smul.u32 $0x320000, s4;
	s7 =	sshrl.u32 s6, $0x1  }
0xd: {  	s31 =	sadd.s32 s14, s10;
	s12 =	sshrl.u32 @!p0 s1, $0x3;
	s14 =	simm.s32 $0x80  }
0xe: {  	s9 =	ssub.s32 s6, s7;
	s11 =	sadd.s32 s13, s11;
	s13 =	simm.s32 $0x9  }
0xf: {  	s5 =	sshrl.u32 s5, $0x3;
	s4 =	sshrl.u32 s4, $0x3;
	s9 =	smax.u32 s9, $0x1  }
0x10: {  	s11 =	sshrl.u32 s11, $0x3;
	s5 =	sadd.s32 s5, s3;
	s3 =	sadd.s32 $0x800, s3  }
0x11: {  	s8 =	sadd.s32 s10, s4;
	s10 =	sadd.s32 s11, s10;
	s11 =	sadd.s32 s0, s31  }
0x12: {  	[dreg:$0x4] =	wrdreg s3;
	s4 =	sadd.s32 $0x1600, s5;
	s5 =	sadd.s32 $0x62000, s8  }
0x13: {  	s6 =	sadd.s32 $0x62800, s8;
	s7 =	sadd.s32 $0x63000, s8;
	s8 =	sadd.s32 $0x63800, s8  }
.LBB2_1:
0x14: {  	s0 =	simm.s32 @!p0 $0x1C09;
	s3 =	rddreg [dreg:$0x4]  }
0x15: {  	[spmem:s12], [sflag:s0] =	dma.local @!p0 [hbm:s3], $0xC80  }
0x16: {  	s0 =	simm.s32 @!p0 $0x9  }
0x17: {  	_ =	swait.ge @!p0 [sflag:s0], $0xC80  }
0x18: {  	[sflag:s0] =	ssyncset.done @!p0 $0x0  }
0x19: {  	[sflag:s0] =	ssyncadd.s32 @!p0 $0xFFFFF380  }
0x1a: {  	[tilespmem:s2], [sflag:$0x9] =	stream.linear.gather [hbm4b:s4+s2], $0x6400, $0x38;
	[tilespmem:$0x16A40] =	vst v63  }
0x1b: {  	_ =	swait.ge [sflag:s13], $0x6400  }
0x1c: {  	[sflag:s13] =	ssyncset.done $0x0  }
0x1d: {  	[sflag:s13] =	ssyncadd.s32 $0xFFFF9C00  }
0x1e: {  	[bflag:$0x0] =	sbarrier.arrive $0xFFFF  }
0x1f: {  	[tilespmem:s15], [sflag:$0x1] =	stream.indirect.gather [spmem:s1], $0x80, s2, s14, $0xb8;
	[tilespmem:$0x16A40] =	vst v63  }
0x20: {  	_ = 	snop  }
0x21: {  	[tilespmem:s16], [sflag:$0x2] =	stream.indirect.gather [spmem:s1], $0x80, s14, s14, $0xb8;
	[tilespmem:$0x16A40] =	vst v63  }
0x22: {  	s17 =	simm.s32 $0x100  }
0x23: {  	[tilespmem:s18], [sflag:$0x3] =	stream.indirect.gather [spmem:s1], $0x80, s17, s14, $0xb8;
	[tilespmem:$0x16A40] =	vst v63  }
0x24: {  	s19 =	simm.s32 $0x180  }
0x25: {  	[tilespmem:s20], [sflag:$0x4] =	stream.indirect.gather [spmem:s1], $0x80, s19, s14, $0xb8;
	[tilespmem:$0x16A40] =	vst v63  }
0x26: {  	_ =	swait.ge [sflag:s21], $0x4000  }
0x27: {  	[sflag:s21] =	ssyncset.done $0x0  }
0x28: {  	s3 =	sadd.s32 $0x0, s10;
	[sflag:s21] =	ssyncadd.s32 $0xFFFFC000  }
0x29: {  	[hbm4b:s3+s2] =	stream.linear.scatter [tilespmem:s15], [sflag:$0x5], $0x4000, $0x38;
	[tilespmem:$0x16A40] =	vst v63  }
0x2a: {  	_ =	swait.ge [sflag:s22], $0x4000  }
0x2b: {  	[sflag:s22] =	ssyncset.done $0x0  }
0x2c: {  	s17 =	simm.s32 $0x200;
	[sflag:s22] =	ssyncadd.s32 $0xFFFFC000  }
0x2d: {  	[tilespmem:s15], [sflag:$0x1] =	stream.indirect.gather [spmem:s1], $0x80, s17, s14, $0xb8;
	[tilespmem:$0x16A40] =	vst v63  }
0x2e: {  	_ =	swait.ge [sflag:s23], $0x4000  }
0x2f: {  	s0 =	sadd.s32 $0x0, s11;
	[sflag:s23] =	ssyncset.done $0x0  }
0x30: {  	s17 =	sadd.s32 $0x800, s0;
	[sflag:s23] =	ssyncadd.s32 $0xFFFFC000  }
0x31: {  	[hbm4b:s17+s2] =	stream.linear.scatter [tilespmem:s16], [sflag:$0x6], $0x4000, $0x38;
	[tilespmem:$0x16A40] =	vst v63  }
0x32: {  	_ =	swait.ge [sflag:s24], $0x4000  }
0x33: {  	[sflag:s24] =	ssyncset.done $0x0  }
0x34: {  	s19 =	simm.s32 $0x280;
	[sflag:s24] =	ssyncadd.s32 $0xFFFFC000  }
0x35: {  	[tilespmem:s16], [sflag:$0x2] =	stream.indirect.gather [spmem:s1], $0x80, s19, s14, $0xb8;
	[tilespmem:$0x16A40] =	vst v63  }
0x36: {  	_ =	swait.ge [sflag:s25], $0x4000  }
0x37: {  	[sflag:s25] =	ssyncset.done $0x0  }
0x38: {  	s3 =	sadd.s32 $0x1000, s0;
	[sflag:s25] =	ssyncadd.s32 $0xFFFFC000  }
0x39: {  	[hbm4b:s3+s2] =	stream.linear.scatter [tilespmem:s18], [sflag:$0x7], $0x4000, $0x38;
	[tilespmem:$0x16A40] =	vst v63  }
0x3a: {  	_ =	swait.ge [sflag:s26], $0x4000  }
0x3b: {  	[sflag:s26] =	ssyncset.done $0x0  }
0x3c: {  	s19 =	simm.s32 $0x300;
	[sflag:s26] =	ssyncadd.s32 $0xFFFFC000  }
0x3d: {  	[tilespmem:s18], [sflag:$0x3] =	stream.indirect.gather [spmem:s1], $0x80, s19, s14, $0xb8;
	[tilespmem:$0x16A40] =	vst v63  }
0x3e: {  	_ =	swait.ge [sflag:s28], $0x4000  }
0x3f: {  	[sflag:s28] =	ssyncset.done $0x0  }
0x40: {  	s0 =	sadd.s32 $0x1800, s0;
	[sflag:s28] =	ssyncadd.s32 $0xFFFFC000  }
0x41: {  	[hbm4b:s0+s2] =	stream.linear.scatter [tilespmem:s20], [sflag:$0x8], $0x4000, $0x38;
	[tilespmem:$0x16A40] =	vst v63  }
0x42: {  	_ =	swait.ge [sflag:s29], $0x4000  }
0x43: {  	s31 =	simm.s32 $0x380;
	[sflag:s29] =	ssyncset.done $0x0  }
0x44: {  	s17 =	simm.s32 $0x580;
	s0 =	simm.s32 $0x2000;
	[sflag:s29] =	ssyncadd.s32 $0xFFFFC000  }
.LBB2_2:
0x45: {  	[tilespmem:s20], [sflag:$0x4] =	stream.indirect.gather [spmem:s1], $0x80, s31, s14, $0xb8;
	[tilespmem:$0x16A40] =	vst v63  }
0x46: {  	s19 =	smov.u32 s0;
	s31 =	smov.u32 s17  }
0x47: {  	p1 =	sne.s32 s0, $0x60000;
	s0 =	sadd.s32 $0x2000, s0;
	_ =	swait.ge [sflag:s21], $0x4000  }
0x48: {  	[sflag:s21] =	ssyncset.done $0x0  }
0x49: {  	s3 =	sadd.s32 s19, s10;
	[sflag:s21] =	ssyncadd.s32 $0xFFFFC000  }
0x4a: {  	[hbm4b:s3+s2] =	stream.linear.scatter [tilespmem:s15], [sflag:$0x5], $0x4000, $0x38;
	[tilespmem:$0x16A40] =	vst v63  }
0x4b: {  	_ =	swait.ge [sflag:s22], $0x4000  }
0x4c: {  	[sflag:s22] =	ssyncset.done $0x0  }
0x4d: {  	s3 =	sadd.s32 $0xFFFFFE80, s17;
	[sflag:s22] =	ssyncadd.s32 $0xFFFFC000  }
0x4e: {  	[tilespmem:s15], [sflag:$0x1] =	stream.indirect.gather [spmem:s1], $0x80, s3, s14, $0xb8;
	[tilespmem:$0x16A40] =	vst v63  }
0x4f: {  	_ =	swait.ge [sflag:s23], $0x4000  }
0x50: {  	s3 =	sadd.s32 s19, s11;
	[sflag:s23] =	ssyncset.done $0x0  }
0x51: {  	s19 =	sadd.s32 $0x800, s3;
	[sflag:s23] =	ssyncadd.s32 $0xFFFFC000  }
0x52: {  	[hbm4b:s19+s2] =	stream.linear.scatter [tilespmem:s16], [sflag:$0x6], $0x4000, $0x38;
	[tilespmem:$0x16A40] =	vst v63  }
0x53: {  	_ =	swait.ge [sflag:s24], $0x4000  }
0x54: {  	[sflag:s24] =	ssyncset.done $0x0  }
0x55: {  	s19 =	sadd.s32 $0xFFFFFF00, s17;
	[sflag:s24] =	ssyncadd.s32 $0xFFFFC000  }
0x56: {  	[tilespmem:s16], [sflag:$0x2] =	stream.indirect.gather [spmem:s1], $0x80, s19, s14, $0xb8;
	[tilespmem:$0x16A40] =	vst v63  }
0x57: {  	_ =	swait.ge [sflag:s25], $0x4000  }
0x58: {  	[sflag:s25] =	ssyncset.done $0x0  }
0x59: {  	s19 =	sadd.s32 $0x1000, s3;
	[sflag:s25] =	ssyncadd.s32 $0xFFFFC000  }
0x5a: {  	[hbm4b:s19+s2] =	stream.linear.scatter [tilespmem:s18], [sflag:$0x7], $0x4000, $0x38;
	[tilespmem:$0x16A40] =	vst v63  }
0x5b: {  	_ =	swait.ge [sflag:s26], $0x4000  }
0x5c: {  	[sflag:s26] =	ssyncset.done $0x0  }
0x5d: {  	s19 =	sadd.s32 $0xFFFFFF80, s17;
	[sflag:s26] =	ssyncadd.s32 $0xFFFFC000  }
0x5e: {  	[tilespmem:s18], [sflag:$0x3] =	stream.indirect.gather [spmem:s1], $0x80, s19, s14, $0xb8;
	[tilespmem:$0x16A40] =	vst v63  }
0x5f: {  	_ =	swait.ge [sflag:s28], $0x4000  }
0x60: {  	[sflag:s28] =	ssyncset.done $0x0  }
.Ltmp0:
0x61: {  	s3 =	sadd.s32 $0x1800, s3;
	[sflag:s28] =	ssyncadd.s32 $0xFFFFC000;
	(pc) =	sbr.rel @p1 .LBB2_2-.Ltmp0, $4  }
0x62: {  	[hbm4b:s3+s2] =	stream.linear.scatter [tilespmem:s20], [sflag:$0x8], $0x4000, $0x38;
	[tilespmem:$0x16A40] =	vst v63  }
0x63: {  	_ =	swait.ge [sflag:s29], $0x4000  }
0x64: {  	[sflag:s29] =	ssyncset.done $0x0  }
0x65: {  	s17 =	sadd.s32 $0x200, s17;
	[sflag:s29] =	ssyncadd.s32 $0xFFFFC000  }
0x66: {  	[tilespmem:s20], [sflag:$0x4] =	stream.indirect.gather [spmem:s1], $0x80, s31, s14, $0xb8;
	[tilespmem:$0x16A40] =	vst v63  }
0x67: {  	_ =	swait.ge [sflag:s21], $0x4000  }
0x68: {  	[sflag:s21] =	ssyncset.done $0x0  }
0x69: {  	[sflag:s21] =	ssyncadd.s32 $0xFFFFC000  }
0x6a: {  	[hbm4b:s5+s2] =	stream.linear.scatter [tilespmem:s15], [sflag:$0x5], $0x4000, $0x38;
	[tilespmem:$0x16A40] =	vst v63  }
0x6b: {  	_ =	swait.ge [sflag:s22], $0x4000  }
0x6c: {  	[sflag:s22] =	ssyncset.done $0x0  }
0x6d: {  	[sflag:s22] =	ssyncadd.s32 $0xFFFFC000  }
0x6e: {  	_ =	swait.ge [sflag:s23], $0x4000  }
0x6f: {  	[sflag:s23] =	ssyncset.done $0x0  }
0x70: {  	[sflag:s23] =	ssyncadd.s32 $0xFFFFC000  }
0x71: {  	[hbm4b:s6+s2] =	stream.linear.scatter [tilespmem:s16], [sflag:$0x6], $0x4000, $0x38;
	[tilespmem:$0x16A40] =	vst v63  }
0x72: {  	_ =	swait.ge [sflag:s24], $0x4000  }
0x73: {  	[sflag:s24] =	ssyncset.done $0x0  }
0x74: {  	[sflag:s24] =	ssyncadd.s32 $0xFFFFC000  }
0x75: {  	_ =	swait.ge [sflag:s25], $0x4000  }
0x76: {  	[sflag:s25] =	ssyncset.done $0x0  }
0x77: {  	[sflag:s25] =	ssyncadd.s32 $0xFFFFC000  }
0x78: {  	[hbm4b:s7+s2] =	stream.linear.scatter [tilespmem:s18], [sflag:$0x7], $0x4000, $0x38;
	[tilespmem:$0x16A40] =	vst v63  }
0x79: {  	_ =	swait.ge [sflag:s26], $0x4000  }
0x7a: {  	[sflag:s26] =	ssyncset.done $0x0  }
0x7b: {  	[sflag:s26] =	ssyncadd.s32 $0xFFFFC000  }
0x7c: {  	s30 =	sadd.s32 $0x1, s30;
	_ =	swait.ge [sflag:s28], $0x4000  }
0x7d: {  	p1 =	sne.s32 s30, s9;
	[sflag:s28] =	ssyncset.done $0x0  }
.Ltmp1:
0x7e: {  	[sflag:s28] =	ssyncadd.s32 $0xFFFFC000;
	(pc) =	sbr.rel @p1 .LBB2_1-.Ltmp1, $4  }
0x7f: {  	[hbm4b:s8+s2] =	stream.linear.scatter [tilespmem:s20], [sflag:$0x8], $0x4000, $0x38;
	[tilespmem:$0x16A40] =	vst v63  }
0x80: {  	_ =	swait.ge [sflag:s29], $0x4000  }
0x81: {  	[sflag:s29] =	ssyncset.done $0x0  }
0x82: {  	[sflag:s29] =	ssyncadd.s32 $0xFFFFC000  }
0x83: {  	_ =	sfence.sel $0x180000  }
0x84: {  	[bflag:$0x0] =	sbarrier.arrive $0xFFFF  }
0x85: {  	_ =	strace $0x90000047  }
0x86: {  	[bflag:$0x2] =	sbarrier.arrive $0xFFFF  }
0x87: {  	s0 =	rddreg [dreg:$0x3]  }
0x88: {  	s0 =	sadd.s32 @!p0 $0x100000, s0  }
0x89: {  	[sflag:s0] =	ssyncadd.tile.s32 @!p0 $0x1;
	_ =	shalt  }
.Lfunc_end2:
_tile_overlayer_lowered:
.L_overlay_start_2:
0x8a: {  	(tag) =	ssettag $0x2  }
0x8b: {  	s0 =	rddreg [dreg:$0x0];
	s2 =	stileid.u32  }
0x8c: {  	s1 =	rddreg [dreg:$0x1];
	p0 =	sne.s32 s2, $0x0  }
0x8d: {  	s3 =	rddreg [dreg:$0x2];
	[bflag:$0x3] =	sbarrier.arrive $0xFFFF;
	s2 =	simm.s32 @!p0 $0x1C09  }
0x8e: {  	[timem:s3], [sflag:s2] =	dma.local @!p0 [hbm:s0], s1  }
0x8f: {  	s0 =	simm.s32 @!p0 $0x9  }
0x90: {  	_ =	swait.ge @!p0 [sflag:s0], s1  }
0x91: {  	s1 =	ssub.s32 @!p0 $0x0, s1;
	[sflag:s0] =	ssyncset.done @!p0 $0x0  }
0x92: {  	[sflag:s0] =	ssyncadd.s32 @!p0 s1  }
0x93: {  	[bflag:$0x3] =	sbarrier.arrive $0xFFFF  }
0x94: {  	_ =	shalt  }

</sc_bundles>
